<compile_context>
chip_gen: v7x
topology: tpu7x:2x2x1
jax: 0.10.2.dev20260603
libtpu: 0.0.44.dev20260713+nightly
codegen_flags: <defaults>
</compile_context>

<pallas_src>
import functools

import jax
import jax.numpy as jnp
from jax import lax
from jax.experimental import pallas as pl
from jax.experimental.pallas import tpu as pltpu
from jax.experimental.pallas import tpu_sc as plsc

B, C, N = 8, 128, 2048
K = 9
TN = 256
NBLK = N // TN
TR = 512
NB = N // TR
NSLOT = 8
TOT = 2 * B * N * K
NW = 32
RPW = TOT // NW
CHUNK = 128
NCH = RPW // CHUNK
CNT1 = B * N * 3
CNT2 = B * N
EPS = 1e-5
NEG = -3.0e38
BIGI = 1 << 30


def _topk_body(cdim, slot_base, xt_ref, x_ref, rid_ref, o_ref):
    b = pl.program_id(0)
    xb = xt_ref[0]
    xf = x_ref[0]
    xx = jnp.sum(xf * xf, axis=0, keepdims=True)
    s = jnp.dot(xb, xf, preferred_element_type=jnp.float32)
    v = 2.0 * s - xx
    iota_m = lax.broadcasted_iota(jnp.int32, (TN, N), 1)
    iota16 = lax.broadcasted_iota(jnp.int32, (TN, 16), 1)
    del rid_ref
    acc = jnp.zeros((TN, 16), jnp.int32)
    gbase = b * (NSLOT * N)
    for r in range(K):
        mx = jnp.max(v, axis=1, keepdims=True)
        idxr = jnp.min(jnp.where(v >= mx, iota_m, BIGI),
                       axis=1, keepdims=True)
        slot = slot_base + (r % 3)
        gidx = idxr + (gbase + slot * N)
        acc = jnp.where(iota16 == r, jnp.broadcast_to(gidx, (TN, 16)), acc)
        v = jnp.where(iota_m == idxr, NEG, v)
    o_ref[0] = acc


def _topk_call(xt, x, rid, cdim, slot_base):
    return pl.pallas_call(
        functools.partial(_topk_body, cdim, slot_base),
        grid=(B, NBLK),
        in_specs=[
            pl.BlockSpec((1, TN, cdim), lambda b, n: (b, n, 0)),
            pl.BlockSpec((1, cdim, N), lambda b, n: (b, 0, 0)),
            pl.BlockSpec((TN, 16), lambda b, n: (n, 0)),
        ],
        out_specs=pl.BlockSpec((1, TN, 16), lambda b, n: (b, n, 0)),
        out_shape=jax.ShapeDtypeStruct((B, N, 16), jnp.int32),
    )(xt, x, rid)


def _mm_body(xt_ref, w_ref, o_ref):
    o_ref[0, 0] = jnp.dot(xt_ref[0], w_ref[0],
                          preferred_element_type=jnp.float32)


def _transforms_call(xt, wstack):
    return pl.pallas_call(
        _mm_body,
        grid=(B, NSLOT),
        in_specs=[
            pl.BlockSpec((1, N, C), lambda b, s: (b, 0, 0)),
            pl.BlockSpec((1, C, C), lambda b, s: (s, 0, 0)),
        ],
        out_specs=pl.BlockSpec((1, 1, N, C), lambda b, s: (b, s, 0, 0)),
        out_shape=jax.ShapeDtypeStruct((B, NSLOT, N, C), jnp.float32),
    )(xt, wstack)


def _sc_gather_body(tab_hbm, idx_hbm, out_hbm, idx_v, buf_v, sem0, sem1):
    wid = lax.axis_index("s") * 2 + lax.axis_index("c")
    base = wid * RPW
    sems = [sem0, sem1]
    pltpu.sync_copy(idx_hbm.at[pl.ds(base, RPW)], idx_v)
    for p in range(2):
        pltpu.async_copy(
            tab_hbm.at[idx_v.at[pl.ds(p * CHUNK, CHUNK)]],
            buf_v.at[p], sems[p])

    def outer(g0, carry):
        for p in range(2):
            g = g0 * 2 + p
            off = g * CHUNK
            pltpu.make_async_copy(
                tab_hbm.at[idx_v.at[pl.ds(off, CHUNK)]],
                buf_v.at[p], sems[p]).wait()
            pltpu.sync_copy(buf_v.at[p],
                            out_hbm.at[pl.ds(base + off, CHUNK)])

            @pl.when(g + 2 < NCH)
            def _():
                off2 = (g + 2) * CHUNK
                pltpu.async_copy(
                    tab_hbm.at[idx_v.at[pl.ds(off2, CHUNK)]],
                    buf_v.at[p], sems[p])
        return carry

    lax.fori_loop(0, NCH // 2, outer, 0)


def _gather_rows(table, flat_idx):
    fn = pl.kernel(
        _sc_gather_body,
        mesh=plsc.VectorSubcoreMesh(core_axis_name="c", subcore_axis_name="s"),
        out_type=jax.ShapeDtypeStruct((TOT, C), jnp.float32),
        scratch_types=[
            pltpu.VMEM((RPW,), jnp.int32),
            pltpu.VMEM((2, CHUNK, C), jnp.float32),
            pltpu.SemaphoreType.DMA,
            pltpu.SemaphoreType.DMA,
        ],
    )
    return fn(table, flat_idx)


def _assemble_body(g_ref, c_ref, a_ref, st_ref):
    first = jnp.logical_and(pl.program_id(1) == 0, pl.program_id(2) == 0)

    @pl.when(first)
    def _():
        st_ref[0] = jnp.zeros((8, C), jnp.float32)

    g = g_ref[0, 0]
    cen = c_ref[0, 0]
    ssum = jnp.zeros((1, C), jnp.float32)
    ssq = jnp.zeros((1, C), jnp.float32)
    for j in range(3):
        sj = (g[:, (3 * j) * C:(3 * j + 1) * C]
              + g[:, (3 * j + 1) * C:(3 * j + 2) * C]
              + g[:, (3 * j + 2) * C:(3 * j + 3) * C])
        aj = cen - sj
        a_ref[0, 0, :, j * C:(j + 1) * C] = aj
        ssum = ssum + jnp.sum(aj, axis=0, keepdims=True)
        ssq = ssq + jnp.sum(aj * aj, axis=0, keepdims=True)
    st_ref[0, 0:1, :] = st_ref[0, 0:1, :] + ssum
    st_ref[0, 1:2, :] = st_ref[0, 1:2, :] + ssq


def _assemble_call(g2d, stack):
    return pl.pallas_call(
        _assemble_body,
        grid=(2, B, NB),
        in_specs=[
            pl.BlockSpec((1, 1, TR, K * C), lambda br, b, n: (br, b, n, 0)),
            pl.BlockSpec((1, 1, TR, C), lambda br, b, n: (b, 4 * br, n, 0)),
        ],
        out_specs=[
            pl.BlockSpec((1, 1, TR, 3 * C), lambda br, b, n: (br, b, n, 0)),
            pl.BlockSpec((1, 8, C), lambda br, b, n: (br, 0, 0)),
        ],
        out_shape=[
            jax.ShapeDtypeStruct((2, B, N, 3 * C), jnp.float32),
            jax.ShapeDtypeStruct((2, 8, C), jnp.float32),
        ],
    )(g2d, stack)


def _conv2_body(a_ref, st_ref, gb_ref, w_ref, o_ref, s2_ref):
    first = jnp.logical_and(pl.program_id(1) == 0, pl.program_id(2) == 0)

    @pl.when(first)
    def _():
        s2_ref[0] = jnp.zeros((8, C), jnp.float32)

    mean = st_ref[0, 0:1, :] * (1.0 / CNT1)
    var = st_ref[0, 1:2, :] * (1.0 / CNT1) - mean * mean
    rstd = lax.rsqrt(var + EPS)
    scale = gb_ref[0, 0:1, :] * rstd
    shift = gb_ref[0, 1:2, :] - mean * scale
    a = a_ref[0, 0]
    acc = jnp.zeros((TR, C), jnp.float32)
    for j in range(3):
        h = jnp.maximum(a[:, j * C:(j + 1) * C] * scale + shift, 0.0)
        acc = acc + jnp.dot(h, w_ref[0, j],
                            preferred_element_type=jnp.float32)
    o_ref[0, 0] = acc
    s2_ref[0, 0:1, :] = s2_ref[0, 0:1, :] + jnp.sum(acc, 0, keepdims=True)
    s2_ref[0, 1:2, :] = s2_ref[0, 1:2, :] + jnp.sum(acc * acc, 0,
                                                    keepdims=True)


def _conv2_call(a4d, st1, gb1, w2t):
    return pl.pallas_call(
        _conv2_body,
        grid=(2, B, NB),
        in_specs=[
            pl.BlockSpec((1, 1, TR, 3 * C), lambda br, b, n: (br, b, n, 0)),
            pl.BlockSpec((1, 8, C), lambda br, b, n: (br, 0, 0)),
            pl.BlockSpec((1, 8, C), lambda br, b, n: (br, 0, 0)),
            pl.BlockSpec((1, 3, C, C), lambda br, b, n: (br, 0, 0, 0)),
        ],
        out_specs=[
            pl.BlockSpec((1, 1, TR, C), lambda br, b, n: (br, b, n, 0)),
            pl.BlockSpec((1, 8, C), lambda br, b, n: (br, 0, 0)),
        ],
        out_shape=[
            jax.ShapeDtypeStruct((2, B, N, C), jnp.float32),
            jax.ShapeDtypeStruct((2, 8, C), jnp.float32),
        ],
    )(a4d, st1, gb1, w2t)


def _final_body(o1_ref, o2_ref, s2_ref, gb_ref, out_ref):
    res = None
    for br in range(2):
        mean = s2_ref[br, 0:1, :] * (1.0 / CNT2)
        var = s2_ref[br, 1:2, :] * (1.0 / CNT2) - mean * mean
        rstd = lax.rsqrt(var + EPS)
        scale = gb_ref[br, 0:1, :] * rstd
        shift = gb_ref[br, 1:2, :] - mean * scale
        o = o1_ref[0] if br == 0 else o2_ref[0]
        y = jnp.maximum(o * scale + shift, 0.0)
        if br == 0:
            res = y
        else:
            res = res + gb_ref[1, 2:3, :] * y
    out_ref[0] = res


def _final_call(o1, o2, st2, gb2):
    return pl.pallas_call(
        _final_body,
        grid=(B, NB),
        in_specs=[
            pl.BlockSpec((1, TR, C), lambda b, n: (b, n, 0)),
            pl.BlockSpec((1, TR, C), lambda b, n: (b, n, 0)),
            pl.BlockSpec((2, 8, C), lambda b, n: (0, 0, 0)),
            pl.BlockSpec((2, 8, C), lambda b, n: (0, 0, 0)),
        ],
        out_specs=pl.BlockSpec((1, TR, C), lambda b, n: (b, n, 0)),
        out_shape=jax.ShapeDtypeStruct((B, N, C), jnp.float32),
    )(o1, o2, st2, gb2)


def kernel(features, motion, W1, b1, g1, be1, W2, b2, g2, be2,
           W3, b3, g3, be3, W4, b4, g4, be4, delta):
    x = features.reshape(B, C, N)
    xt = jnp.transpose(x, (0, 2, 1))
    m = motion.reshape(B, 2, N)
    m8 = jnp.concatenate([m, jnp.zeros((B, 6, N), jnp.float32)], axis=1)
    m8t = jnp.transpose(m8, (0, 2, 1))

    def slots(w):
        wa = [w[:, :C, 0, t] for t in range(3)]
        wb = [w[:, C:, 0, t] for t in range(3)]
        cen = sum(wa[t] + wb[t] for t in range(3)).T
        return [cen] + [wb[t].T for t in range(3)]

    wstack = jnp.stack(slots(W1) + slots(W3))
    w2t = jnp.stack([
        jnp.stack([W2[:, :, 0, t].T for t in range(3)]),
        jnp.stack([W4[:, :, 0, t].T for t in range(3)]),
    ])
    zrow = jnp.zeros((1, C), jnp.float32)
    drow = jnp.broadcast_to(delta.reshape(1, 1), (1, C))

    def gbrows(g, be, third):
        return jnp.concatenate(
            [g[None], be[None], third] + [zrow] * 5, axis=0)

    gb1 = jnp.stack([gbrows(g1, be1, zrow), gbrows(g3, be3, zrow)])
    gb2 = jnp.stack([gbrows(g2, be2, drow), gbrows(g4, be4, drow)])

    rid = jnp.broadcast_to(
        jnp.arange(N, dtype=jnp.int32)[:, None], (N, 16))
    i1 = _topk_call(xt, x, rid, C, 1)[:, :, :K]
    i2 = _topk_call(m8t, m8, rid, 8, 5)[:, :, :K]
    flat_idx = jnp.stack([i1, i2]).reshape(-1)

    stack = _transforms_call(xt, wstack)
    table = stack.reshape(B * NSLOT * N, C)

    g_rows = _gather_rows(table, flat_idx)
    g2d = g_rows.reshape(2, B, N, K * C)

    a4d, st1 = _assemble_call(g2d, stack)
    o, st2 = _conv2_call(a4d, st1, gb1, w2t)
    res = _final_call(o[0], o[1], st2, gb2)
    return jnp.transpose(res, (0, 2, 1))[..., None]

# --- scband reference (transcript-rebuilt; emitter-appended) ---
"""Pipeline reference for scband-ds-block-66151086293226 (READ-ONLY COPY).

The authoritative reference and input builder live on the scoring server;
editing this copy changes nothing except your own understanding.
"""

import jax, jax.numpy as jnp
import numpy as np

K = 9

def _knn_idx(x, k):
    # x: [B, C, N] -> idx: [B, N, k]
    inner = -2.0 * jnp.einsum('bcn,bcm->bnm', x, x)
    xx = jnp.sum(x * x, axis=1)
    pd = -xx[:, :, None] - inner - xx[:, None, :]
    _, idx = jax.lax.top_k(pd, k)
    return idx

def _graph_feature(x_feat, x_knn, k):
    # x_feat: [B, C, N] features to gather; x_knn: [B, Ck, N] source for kNN graph
    B, C, N = x_feat.shape
    idx = _knn_idx(x_knn, k)
    xt = jnp.transpose(x_feat, (0, 2, 1))  # [B, N, C]
    gathered = jax.vmap(lambda a, i: jnp.take(a, i.reshape(-1), axis=0))(xt, idx)
    gathered = gathered.reshape(B, N, k, C)
    center = jnp.broadcast_to(xt[:, :, None, :], (B, N, k, C))
    out = jnp.concatenate([center, center - gathered], axis=3)  # [B, N, k, 2C]
    return jnp.transpose(out, (0, 3, 1, 2))  # [B, 2C, N, k]

def _conv2d(x, W, b, sw):
    y = jax.lax.conv_general_dilated(x, W, window_strides=(1, sw), padding='VALID', dimension_numbers=('NCHW', 'OIHW', 'NCHW'))
    return y + b[None, :, None, None]

def _bn(x, g, be, eps=1e-5):
    m = jnp.mean(x, axis=(0, 2, 3), keepdims=True)
    v = jnp.var(x, axis=(0, 2, 3), keepdims=True)
    return g[None, :, None, None] * (x - m) / jnp.sqrt(v + eps) + be[None, :, None, None]

def _branch(feat, knn_src, W1, b1, g1, be1, W2, b2, g2, be2, k):
    B, C, N, _ = feat.shape
    x = feat.reshape(B, C, N)
    gf = _graph_feature(x, knn_src, k)
    h = jax.nn.relu(_bn(_conv2d(gf, W1, b1, 3), g1, be1))
    h = jax.nn.relu(_bn(_conv2d(h, W2, b2, 1), g2, be2))
    return h  # [B, C, N, 1]

def setup_inputs(seed: int = 0):
    key = jax.random.key(seed)
    ks = jax.random.split(key, 8)
    B, C, N = 8, 128, 2048
    inp = {}
    inp['features'] = jax.random.normal(ks[0], (B, C, N, 1), dtype=jnp.float32)
    inp['motion'] = jax.random.normal(ks[1], (B, 2, N, 1), dtype=jnp.float32)
    inp['W1'] = jax.random.normal(ks[2], (C, 2 * C, 1, 3), dtype=jnp.float32) * 0.05
    inp['b1'] = jnp.zeros((C,), jnp.float32)
    inp['g1'] = jnp.ones((C,), jnp.float32)
    inp['be1'] = jnp.zeros((C,), jnp.float32)
    inp['W2'] = jax.random.normal(ks[3], (C, C, 1, 3), dtype=jnp.float32) * 0.05
    inp['b2'] = jnp.zeros((C,), jnp.float32)
    inp['g2'] = jnp.ones((C,), jnp.float32)
    inp['be2'] = jnp.zeros((C,), jnp.float32)
    inp['W3'] = jax.random.normal(ks[4], (C, 2 * C, 1, 3), dtype=jnp.float32) * 0.05
    inp['b3'] = jnp.zeros((C,), jnp.float32)
    inp['g3'] = jnp.ones((C,), jnp.float32)
    inp['be3'] = jnp.zeros((C,), jnp.float32)
    inp['W4'] = jax.random.normal(ks[5], (C, C, 1, 3), dtype=jnp.float32) * 0.05
    inp['b4'] = jnp.zeros((C,), jnp.float32)
    inp['g4'] = jnp.ones((C,), jnp.float32)
    inp['be4'] = jnp.zeros((C,), jnp.float32)
    inp['delta'] = jnp.ones((1,), jnp.float32)
    return inp

def reference(features, motion, W1, b1, g1, be1, W2, b2, g2, be2, W3, b3, g3, be3, W4, b4, g4, be4, delta):
    B, C, N, _ = features.shape
    # DG1: kNN graph built from the features themselves (DGCNN_Block)
    f1 = _branch(features, features.reshape(B, C, N), W1, b1, g1, be1, W2, b2, g2, be2, K)
    # DG2: kNN graph built from motion vectors, features gathered (DGCNN_motion_Block)
    f2 = _branch(features, motion.reshape(B, -1, N), W3, b3, g3, be3, W4, b4, g4, be4, K)
    return f1 + delta * f2

if __name__ == "__main__":
    import jax
    _d = setup_inputs()
    print(jax.jit(kernel)(*tuple(_d.values())))

</pallas_src>

<mosaic_0001>
#map = affine_map<(d0, d1) -> (0, 0)>
#map1 = affine_map<(d0, d1) -> (0)>
module attributes {stable_mosaic.version = 14 : i64} {
  func.func @_sc_gather_body(%arg0: i32, %arg1: i32, %arg2: memref<131072x128xf32, #tpu.memory_space<hbm>>, %arg3: memref<294912xi32, #tpu.memory_space<hbm>>, %arg4: memref<294912x128xf32, #tpu.memory_space<hbm>>, %arg5: memref<9216xi32, #tpu.memory_space<vmem>>, %arg6: memref<2x128x128xf32, #tpu.memory_space<vmem>>, %arg7: memref<!tpu.dma_semaphore, #tpu.memory_space<semaphore_mem>>, %arg8: memref<!tpu.dma_semaphore, #tpu.memory_space<semaphore_mem>>) attributes {dimension_semantics = [#tpu.dimension_semantics<core_parallel>, #tpu.dimension_semantics<subcore_parallel>], iteration_bounds = array<i64: 2, 16>, scalar_prefetch = 0 : i64, scratch_operands = 4 : i64, tpu.core_type = #tpu.core_type<sc_vector_subcore>, window_params = [{transform_indices = #map}, {transform_indices = #map1}, {transform_indices = #map}]} {
    %mul3A = arith.constant 2 : i32
    %mul3A_0 = arith.muli %arg1, %mul3A : i32
    %add3A = arith.addi %mul3A_0, %arg0 : i32
    %mul3A_1 = arith.constant 9216 : i32
    %mul3A_2 = arith.muli %add3A, %mul3A_1 : i32
    "tpu.region"() ({
      %run_scoped3A = tpu.sem_alloc : memref<!tpu.dma_semaphore, #tpu.memory_space<semaphore_mem>>
      %dma_start3A_27 = tpu.memref_slice %arg3[%mul3A_2] : memref<294912xi32, #tpu.memory_space<hbm>> -> memref<9216xi32, #tpu.memory_space<hbm>>
      %dma_start3A_28 = tpu.memref_slice %arg3[%mul3A_2] : memref<294912xi32, #tpu.memory_space<hbm>> -> memref<9216xi32, #tpu.memory_space<hbm>>
      tpu.enqueue_dma source(%dma_start3A_28 : memref<9216xi32, #tpu.memory_space<hbm>>) target(%arg5 : memref<9216xi32, #tpu.memory_space<vmem>>) target_semaphore(%run_scoped3A : memref<!tpu.dma_semaphore, #tpu.memory_space<semaphore_mem>>)
      %dma_wait3A = tpu.memref_slice %arg3[%mul3A_2] : memref<294912xi32, #tpu.memory_space<hbm>> -> memref<9216xi32, #tpu.memory_space<hbm>>
      %dma_wait3A_29 = tpu.memref_slice %arg3[%mul3A_2] : memref<294912xi32, #tpu.memory_space<hbm>> -> memref<9216xi32, #tpu.memory_space<hbm>>
      tpu.wait_dma2 semaphore(%run_scoped3A : memref<!tpu.dma_semaphore, #tpu.memory_space<semaphore_mem>>) src(%dma_wait3A_29 : memref<9216xi32, #tpu.memory_space<hbm>>) dst(%arg5 : memref<9216xi32, #tpu.memory_space<vmem>>)
      tpu.yield
    }) : () -> ()
    %dma_start3A = arith.constant 0 : i32
    %dma_start3A_3 = arith.constant 0 : i32
    %dma_start3A_4 = arith.constant 0 : i32
    %dma_start3A_5 = tpu.memref_slice %arg6[%dma_start3A, %dma_start3A_3, %dma_start3A_4] : memref<2x128x128xf32, #tpu.memory_space<vmem>> -> memref<1x128x128xf32, #tpu.memory_space<vmem>>
    %dma_start3A_6 = tpu.memref_squeeze %dma_start3A_5 : memref<1x128x128xf32, #tpu.memory_space<vmem>> -> memref<128x128xf32, #tpu.memory_space<vmem>>
    %dma_start3A_7 = arith.constant 0 : i32
    %dma_start3A_8 = tpu.memref_slice %arg5[%dma_start3A_7] : memref<9216xi32, #tpu.memory_space<vmem>> -> memref<128xi32, #tpu.memory_space<vmem>>
    %dma_start3A_9 = arith.constant 0 : i32
    %dma_start3A_10 = arith.constant 0 : i32
    %dma_start3A_11 = tpu.memref_slice %arg2[%dma_start3A_9, %dma_start3A_10] : memref<131072x128xf32, #tpu.memory_space<hbm>> -> memref<131072x128xf32, #tpu.memory_space<hbm>>
    tpu.enqueue_indirect_dma source(%dma_start3A_11 : memref<131072x128xf32, #tpu.memory_space<hbm>>) target(%dma_start3A_6 : memref<128x128xf32, #tpu.memory_space<vmem>>) offsets(%dma_start3A_8 : memref<128xi32, #tpu.memory_space<vmem>>) semaphore(%arg7 : memref<!tpu.dma_semaphore, #tpu.memory_space<semaphore_mem>>)
    %dma_start3A_12 = arith.constant 1 : i32
    %dma_start3A_13 = arith.constant 0 : i32
    %dma_start3A_14 = arith.constant 0 : i32
    %dma_start3A_15 = tpu.memref_slice %arg6[%dma_start3A_12, %dma_start3A_13, %dma_start3A_14] : memref<2x128x128xf32, #tpu.memory_space<vmem>> -> memref<1x128x128xf32, #tpu.memory_space<vmem>>
    %dma_start3A_16 = tpu.memref_squeeze %dma_start3A_15 : memref<1x128x128xf32, #tpu.memory_space<vmem>> -> memref<128x128xf32, #tpu.memory_space<vmem>>
    %dma_start3A_17 = arith.constant 128 : i32
    %dma_start3A_18 = tpu.memref_slice %arg5[%dma_start3A_17] : memref<9216xi32, #tpu.memory_space<vmem>> -> memref<128xi32, #tpu.memory_space<vmem>>
    %dma_start3A_19 = arith.constant 0 : i32
    %dma_start3A_20 = arith.constant 0 : i32
    %dma_start3A_21 = tpu.memref_slice %arg2[%dma_start3A_19, %dma_start3A_20] : memref<131072x128xf32, #tpu.memory_space<hbm>> -> memref<131072x128xf32, #tpu.memory_space<hbm>>
    tpu.enqueue_indirect_dma source(%dma_start3A_21 : memref<131072x128xf32, #tpu.memory_space<hbm>>) target(%dma_start3A_16 : memref<128x128xf32, #tpu.memory_space<vmem>>) offsets(%dma_start3A_18 : memref<128xi32, #tpu.memory_space<vmem>>) semaphore(%arg8 : memref<!tpu.dma_semaphore, #tpu.memory_space<semaphore_mem>>)
    %scan3A = arith.constant 0 : i32
    %scan3A_22 = arith.constant 0 : i32
    %scan3A_23 = arith.constant 36 : i32
    %scan3A_24 = arith.addi %scan3A_22, %scan3A_23 : i32
    %scan3A_25 = arith.constant 1 : i32
    scf.for %scan3A_27 = %scan3A_22 to %scan3A_24 step %scan3A_25  : i32 {
      %mul3A_28 = arith.constant 2 : i32
      %mul3A_29 = arith.muli %scan3A_27, %mul3A_28 : i32
      %add3A_30 = arith.constant 0 : i32
      %add3A_31 = arith.addi %mul3A_29, %add3A_30 : i32
      %mul3A_32 = arith.constant 128 : i32
      %mul3A_33 = arith.muli %add3A_31, %mul3A_32 : i32
      %dma_wait3A = arith.constant 0 : i32
      %dma_wait3A_34 = arith.constant 0 : i32
      %dma_wait3A_35 = arith.constant 0 : i32
      %dma_wait3A_36 = tpu.memref_slice %arg6[%dma_wait3A, %dma_wait3A_34, %dma_wait3A_35] : memref<2x128x128xf32, #tpu.memory_space<vmem>> -> memref<1x128x128xf32, #tpu.memory_space<vmem>>
      %dma_wait3A_37 = tpu.memref_squeeze %dma_wait3A_36 : memref<1x128x128xf32, #tpu.memory_space<vmem>> -> memref<128x128xf32, #tpu.memory_space<vmem>>
      %dma_wait3A_38 = tpu.memref_slice %arg5[%mul3A_33] : memref<9216xi32, #tpu.memory_space<vmem>> -> memref<128xi32, #tpu.memory_space<vmem>>
      %dma_wait3A_39 = arith.constant 0 : i32
      %dma_wait3A_40 = arith.constant 0 : i32
      %dma_wait3A_41 = tpu.memref_slice %arg2[%dma_wait3A_39, %dma_wait3A_40] : memref<131072x128xf32, #tpu.memory_space<hbm>> -> memref<131072x128xf32, #tpu.memory_space<hbm>>
      tpu.wait_indirect_dma semaphore(%arg7 : memref<!tpu.dma_semaphore, #tpu.memory_space<semaphore_mem>>) src(%dma_wait3A_41 : memref<131072x128xf32, #tpu.memory_space<hbm>>) dst(%dma_wait3A_37 : memref<128x128xf32, #tpu.memory_space<vmem>>)
      %add3A_42 = arith.addi %mul3A_2, %mul3A_33 : i32
      %run_scoped3A = arith.constant 0 : i32
      "tpu.region"() ({
        %run_scoped3A_71 = tpu.sem_alloc : memref<!tpu.dma_semaphore, #tpu.memory_space<semaphore_mem>>
        %dma_start3A_72 = arith.constant 0 : i32
        %dma_start3A_73 = arith.constant 0 : i32
        %dma_start3A_74 = tpu.memref_slice %arg6[%run_scoped3A, %dma_start3A_72, %dma_start3A_73] : memref<2x128x128xf32, #tpu.memory_space<vmem>> -> memref<1x128x128xf32, #tpu.memory_space<vmem>>
        %dma_start3A_75 = tpu.memref_squeeze %dma_start3A_74 : memref<1x128x128xf32, #tpu.memory_space<vmem>> -> memref<128x128xf32, #tpu.memory_space<vmem>>
        %dma_start3A_76 = arith.constant 0 : i32
        %dma_start3A_77 = tpu.memref_slice %arg4[%add3A_42, %dma_start3A_76] : memref<294912x128xf32, #tpu.memory_space<hbm>> -> memref<128x128xf32, #tpu.memory_space<hbm>>
        %dma_start3A_78 = arith.constant 0 : i32
        %dma_start3A_79 = tpu.memref_slice %arg4[%add3A_42, %dma_start3A_78] : memref<294912x128xf32, #tpu.memory_space<hbm>> -> memref<128x128xf32, #tpu.memory_space<hbm>>
        %dma_start3A_80 = arith.constant 0 : i32
        %dma_start3A_81 = arith.constant 0 : i32
        %dma_start3A_82 = tpu.memref_slice %arg6[%run_scoped3A, %dma_start3A_80, %dma_start3A_81] : memref<2x128x128xf32, #tpu.memory_space<vmem>> -> memref<1x128x128xf32, #tpu.memory_space<vmem>>
        %dma_start3A_83 = tpu.memref_squeeze %dma_start3A_82 : memref<1x128x128xf32, #tpu.memory_space<vmem>> -> memref<128x128xf32, #tpu.memory_space<vmem>>
        tpu.enqueue_dma source(%dma_start3A_83 : memref<128x128xf32, #tpu.memory_space<vmem>>) target(%dma_start3A_79 : memref<128x128xf32, #tpu.memory_space<hbm>>) target_semaphore(%run_scoped3A_71 : memref<!tpu.dma_semaphore, #tpu.memory_space<semaphore_mem>>)
        %dma_wait3A_84 = arith.constant 0 : i32
        %dma_wait3A_85 = arith.constant 0 : i32
        %dma_wait3A_86 = tpu.memref_slice %arg6[%run_scoped3A, %dma_wait3A_84, %dma_wait3A_85] : memref<2x128x128xf32, #tpu.memory_space<vmem>> -> memref<1x128x128xf32, #tpu.memory_space<vmem>>
        %dma_wait3A_87 = tpu.memref_squeeze %dma_wait3A_86 : memref<1x128x128xf32, #tpu.memory_space<vmem>> -> memref<128x128xf32, #tpu.memory_space<vmem>>
        %dma_wait3A_88 = arith.constant 0 : i32
        %dma_wait3A_89 = tpu.memref_slice %arg4[%add3A_42, %dma_wait3A_88] : memref<294912x128xf32, #tpu.memory_space<hbm>> -> memref<128x128xf32, #tpu.memory_space<hbm>>
        %dma_wait3A_90 = arith.constant 0 : i32
        %dma_wait3A_91 = tpu.memref_slice %arg4[%add3A_42, %dma_wait3A_90] : memref<294912x128xf32, #tpu.memory_space<hbm>> -> memref<128x128xf32, #tpu.memory_space<hbm>>
        %dma_wait3A_92 = arith.constant 0 : i32
        %dma_wait3A_93 = arith.constant 0 : i32
        %dma_wait3A_94 = tpu.memref_slice %arg6[%run_scoped3A, %dma_wait3A_92, %dma_wait3A_93] : memref<2x128x128xf32, #tpu.memory_space<vmem>> -> memref<1x128x128xf32, #tpu.memory_space<vmem>>
        %dma_wait3A_95 = tpu.memref_squeeze %dma_wait3A_94 : memref<1x128x128xf32, #tpu.memory_space<vmem>> -> memref<128x128xf32, #tpu.memory_space<vmem>>
        tpu.wait_dma2 semaphore(%run_scoped3A_71 : memref<!tpu.dma_semaphore, #tpu.memory_space<semaphore_mem>>) src(%dma_wait3A_95 : memref<128x128xf32, #tpu.memory_space<vmem>>) dst(%dma_wait3A_91 : memref<128x128xf32, #tpu.memory_space<hbm>>)
        tpu.yield
      }) : () -> ()
      %add3A_43 = arith.constant 2 : i32
      %add3A_44 = arith.addi %add3A_31, %add3A_43 : i32
      %lt3A = arith.constant 72 : i32
      %lt3A_45 = arith.cmpi slt, %add3A_44, %lt3A : i32
      %convert_element_type3A = arith.extui %lt3A_45 : i1 to i32
      %cond3A = arith.constant 0 : i32
      %cond3A_46 = arith.cmpi ne, %convert_element_type3A, %cond3A : i32
      scf.if %cond3A_46 {
        %add3A_71 = arith.constant 2 : i32
        %add3A_72 = arith.addi %add3A_31, %add3A_71 : i32
        %mul3A_73 = arith.constant 128 : i32
        %mul3A_74 = arith.muli %add3A_72, %mul3A_73 : i32
        %dma_start3A_75 = arith.constant 0 : i32
        %dma_start3A_76 = arith.constant 0 : i32
        %dma_start3A_77 = arith.constant 0 : i32
        %dma_start3A_78 = tpu.memref_slice %arg6[%dma_start3A_75, %dma_start3A_76, %dma_start3A_77] : memref<2x128x128xf32, #tpu.memory_space<vmem>> -> memref<1x128x128xf32, #tpu.memory_space<vmem>>
        %dma_start3A_79 = tpu.memref_squeeze %dma_start3A_78 : memref<1x128x128xf32, #tpu.memory_space<vmem>> -> memref<128x128xf32, #tpu.memory_space<vmem>>
        %dma_start3A_80 = tpu.memref_slice %arg5[%mul3A_74] : memref<9216xi32, #tpu.memory_space<vmem>> -> memref<128xi32, #tpu.memory_space<vmem>>
        %dma_start3A_81 = arith.constant 0 : i32
        %dma_start3A_82 = arith.constant 0 : i32
        %dma_start3A_83 = tpu.memref_slice %arg2[%dma_start3A_81, %dma_start3A_82] : memref<131072x128xf32, #tpu.memory_space<hbm>> -> memref<131072x128xf32, #tpu.memory_space<hbm>>
        tpu.enqueue_indirect_dma source(%dma_start3A_83 : memref<131072x128xf32, #tpu.memory_space<hbm>>) target(%dma_start3A_79 : memref<128x128xf32, #tpu.memory_space<vmem>>) offsets(%dma_start3A_80 : memref<128xi32, #tpu.memory_space<vmem>>) semaphore(%arg7 : memref<!tpu.dma_semaphore, #tpu.memory_space<semaphore_mem>>)
      } else {
      }
      %mul3A_47 = arith.constant 2 : i32
      %mul3A_48 = arith.muli %scan3A_27, %mul3A_47 : i32
      %add3A_49 = arith.constant 1 : i32
      %add3A_50 = arith.addi %mul3A_48, %add3A_49 : i32
      %mul3A_51 = arith.constant 128 : i32
      %mul3A_52 = arith.muli %add3A_50, %mul3A_51 : i32
      %dma_wait3A_53 = arith.constant 1 : i32
      %dma_wait3A_54 = arith.constant 0 : i32
      %dma_wait3A_55 = arith.constant 0 : i32
      %dma_wait3A_56 = tpu.memref_slice %arg6[%dma_wait3A_53, %dma_wait3A_54, %dma_wait3A_55] : memref<2x128x128xf32, #tpu.memory_space<vmem>> -> memref<1x128x128xf32, #tpu.memory_space<vmem>>
      %dma_wait3A_57 = tpu.memref_squeeze %dma_wait3A_56 : memref<1x128x128xf32, #tpu.memory_space<vmem>> -> memref<128x128xf32, #tpu.memory_space<vmem>>
      %dma_wait3A_58 = tpu.memref_slice %arg5[%mul3A_52] : memref<9216xi32, #tpu.memory_space<vmem>> -> memref<128xi32, #tpu.memory_space<vmem>>
      %dma_wait3A_59 = arith.constant 0 : i32
      %dma_wait3A_60 = arith.constant 0 : i32
      %dma_wait3A_61 = tpu.memref_slice %arg2[%dma_wait3A_59, %dma_wait3A_60] : memref<131072x128xf32, #tpu.memory_space<hbm>> -> memref<131072x128xf32, #tpu.memory_space<hbm>>
      tpu.wait_indirect_dma semaphore(%arg8 : memref<!tpu.dma_semaphore, #tpu.memory_space<semaphore_mem>>) src(%dma_wait3A_61 : memref<131072x128xf32, #tpu.memory_space<hbm>>) dst(%dma_wait3A_57 : memref<128x128xf32, #tpu.memory_space<vmem>>)
      %add3A_62 = arith.addi %mul3A_2, %mul3A_52 : i32
      %run_scoped3A_63 = arith.constant 1 : i32
      "tpu.region"() ({
        %run_scoped3A_71 = tpu.sem_alloc : memref<!tpu.dma_semaphore, #tpu.memory_space<semaphore_mem>>
        %dma_start3A_72 = arith.constant 0 : i32
        %dma_start3A_73 = arith.constant 0 : i32
        %dma_start3A_74 = tpu.memref_slice %arg6[%run_scoped3A_63, %dma_start3A_72, %dma_start3A_73] : memref<2x128x128xf32, #tpu.memory_space<vmem>> -> memref<1x128x128xf32, #tpu.memory_space<vmem>>
        %dma_start3A_75 = tpu.memref_squeeze %dma_start3A_74 : memref<1x128x128xf32, #tpu.memory_space<vmem>> -> memref<128x128xf32, #tpu.memory_space<vmem>>
        %dma_start3A_76 = arith.constant 0 : i32
        %dma_start3A_77 = tpu.memref_slice %arg4[%add3A_62, %dma_start3A_76] : memref<294912x128xf32, #tpu.memory_space<hbm>> -> memref<128x128xf32, #tpu.memory_space<hbm>>
        %dma_start3A_78 = arith.constant 0 : i32
        %dma_start3A_79 = tpu.memref_slice %arg4[%add3A_62, %dma_start3A_78] : memref<294912x128xf32, #tpu.memory_space<hbm>> -> memref<128x128xf32, #tpu.memory_space<hbm>>
        %dma_start3A_80 = arith.constant 0 : i32
        %dma_start3A_81 = arith.constant 0 : i32
        %dma_start3A_82 = tpu.memref_slice %arg6[%run_scoped3A_63, %dma_start3A_80, %dma_start3A_81] : memref<2x128x128xf32, #tpu.memory_space<vmem>> -> memref<1x128x128xf32, #tpu.memory_space<vmem>>
        %dma_start3A_83 = tpu.memref_squeeze %dma_start3A_82 : memref<1x128x128xf32, #tpu.memory_space<vmem>> -> memref<128x128xf32, #tpu.memory_space<vmem>>
        tpu.enqueue_dma source(%dma_start3A_83 : memref<128x128xf32, #tpu.memory_space<vmem>>) target(%dma_start3A_79 : memref<128x128xf32, #tpu.memory_space<hbm>>) target_semaphore(%run_scoped3A_71 : memref<!tpu.dma_semaphore, #tpu.memory_space<semaphore_mem>>)
        %dma_wait3A_84 = arith.constant 0 : i32
        %dma_wait3A_85 = arith.constant 0 : i32
        %dma_wait3A_86 = tpu.memref_slice %arg6[%run_scoped3A_63, %dma_wait3A_84, %dma_wait3A_85] : memref<2x128x128xf32, #tpu.memory_space<vmem>> -> memref<1x128x128xf32, #tpu.memory_space<vmem>>
        %dma_wait3A_87 = tpu.memref_squeeze %dma_wait3A_86 : memref<1x128x128xf32, #tpu.memory_space<vmem>> -> memref<128x128xf32, #tpu.memory_space<vmem>>
        %dma_wait3A_88 = arith.constant 0 : i32
        %dma_wait3A_89 = tpu.memref_slice %arg4[%add3A_62, %dma_wait3A_88] : memref<294912x128xf32, #tpu.memory_space<hbm>> -> memref<128x128xf32, #tpu.memory_space<hbm>>
        %dma_wait3A_90 = arith.constant 0 : i32
        %dma_wait3A_91 = tpu.memref_slice %arg4[%add3A_62, %dma_wait3A_90] : memref<294912x128xf32, #tpu.memory_space<hbm>> -> memref<128x128xf32, #tpu.memory_space<hbm>>
        %dma_wait3A_92 = arith.constant 0 : i32
        %dma_wait3A_93 = arith.constant 0 : i32
        %dma_wait3A_94 = tpu.memref_slice %arg6[%run_scoped3A_63, %dma_wait3A_92, %dma_wait3A_93] : memref<2x128x128xf32, #tpu.memory_space<vmem>> -> memref<1x128x128xf32, #tpu.memory_space<vmem>>
        %dma_wait3A_95 = tpu.memref_squeeze %dma_wait3A_94 : memref<1x128x128xf32, #tpu.memory_space<vmem>> -> memref<128x128xf32, #tpu.memory_space<vmem>>
        tpu.wait_dma2 semaphore(%run_scoped3A_71 : memref<!tpu.dma_semaphore, #tpu.memory_space<semaphore_mem>>) src(%dma_wait3A_95 : memref<128x128xf32, #tpu.memory_space<vmem>>) dst(%dma_wait3A_91 : memref<128x128xf32, #tpu.memory_space<hbm>>)
        tpu.yield
      }) : () -> ()
      %add3A_64 = arith.constant 2 : i32
      %add3A_65 = arith.addi %add3A_50, %add3A_64 : i32
      %lt3A_66 = arith.constant 72 : i32
      %lt3A_67 = arith.cmpi slt, %add3A_65, %lt3A_66 : i32
      %convert_element_type3A_68 = arith.extui %lt3A_67 : i1 to i32
      %cond3A_69 = arith.constant 0 : i32
      %cond3A_70 = arith.cmpi ne, %convert_element_type3A_68, %cond3A_69 : i32
      scf.if %cond3A_70 {
        %add3A_71 = arith.constant 2 : i32
        %add3A_72 = arith.addi %add3A_50, %add3A_71 : i32
        %mul3A_73 = arith.constant 128 : i32
        %mul3A_74 = arith.muli %add3A_72, %mul3A_73 : i32
        %dma_start3A_75 = arith.constant 1 : i32
        %dma_start3A_76 = arith.constant 0 : i32
        %dma_start3A_77 = arith.constant 0 : i32
        %dma_start3A_78 = tpu.memref_slice %arg6[%dma_start3A_75, %dma_start3A_76, %dma_start3A_77] : memref<2x128x128xf32, #tpu.memory_space<vmem>> -> memref<1x128x128xf32, #tpu.memory_space<vmem>>
        %dma_start3A_79 = tpu.memref_squeeze %dma_start3A_78 : memref<1x128x128xf32, #tpu.memory_space<vmem>> -> memref<128x128xf32, #tpu.memory_space<vmem>>
        %dma_start3A_80 = tpu.memref_slice %arg5[%mul3A_74] : memref<9216xi32, #tpu.memory_space<vmem>> -> memref<128xi32, #tpu.memory_space<vmem>>
        %dma_start3A_81 = arith.constant 0 : i32
        %dma_start3A_82 = arith.constant 0 : i32
        %dma_start3A_83 = tpu.memref_slice %arg2[%dma_start3A_81, %dma_start3A_82] : memref<131072x128xf32, #tpu.memory_space<hbm>> -> memref<131072x128xf32, #tpu.memory_space<hbm>>
        tpu.enqueue_indirect_dma source(%dma_start3A_83 : memref<131072x128xf32, #tpu.memory_space<hbm>>) target(%dma_start3A_79 : memref<128x128xf32, #tpu.memory_space<vmem>>) offsets(%dma_start3A_80 : memref<128xi32, #tpu.memory_space<vmem>>) semaphore(%arg8 : memref<!tpu.dma_semaphore, #tpu.memory_space<semaphore_mem>>)
      } else {
      }
    }
    %scan3A_26 = arith.constant 36 : i32
    return
  }
}

module attributes {stable_mosaic.version = 14 : i64} {
  func.func @_mm_body(%arg0: i32, %arg1: i32, %arg2: memref<1x2048x128xf32, #tpu.memory_space<vmem>>, %arg3: memref<1x128x128xf32, #tpu.memory_space<vmem>>, %arg4: memref<1x1x2048x128xf32, #tpu.memory_space<vmem>>) attributes {dimension_semantics = [#tpu.dimension_semantics<arbitrary>, #tpu.dimension_semantics<arbitrary>], iteration_bounds = array<i64: 8, 8>, scalar_prefetch = 0 : i64, scratch_operands = 0 : i64, tpu.core_type = #tpu.core_type<tc>, window_params = [{transform_indices = @transform_0, window_bounds = array<i64: 1, 2048, 128>}, {transform_indices = @transform_1, window_bounds = array<i64: 1, 128, 128>}, {transform_indices = @transform_2, window_bounds = array<i64: 1, 1, 2048, 128>}]} {
    %get3A = arith.constant 0 : index
    %get3A_0 = arith.constant 0 : index
    %get3A_1 = arith.constant 0 : index
    %get3A_2 = vector.load %arg2[%get3A, %get3A_0, %get3A_1] : memref<1x2048x128xf32, #tpu.memory_space<vmem>>, vector<1x2048x128xf32>
    %get3A_3 = vector.shape_cast %get3A_2 : vector<1x2048x128xf32> to vector<2048x128xf32>
    %get3A_4 = arith.constant 0 : index
    %get3A_5 = arith.constant 0 : index
    %get3A_6 = arith.constant 0 : index
    %get3A_7 = vector.load %arg3[%get3A_4, %get3A_5, %get3A_6] : memref<1x128x128xf32, #tpu.memory_space<vmem>>, vector<1x128x128xf32>
    %get3A_8 = vector.shape_cast %get3A_7 : vector<1x128x128xf32> to vector<128x128xf32>
    %dot_general3A = arith.constant dense<0.000000e+00> : vector<2048x128xf32>
    %dot_general3A_9 = tpu.matmul %get3A_3, %get3A_8, %dot_general3A {dimension_numbers = #tpu.dot_dimension_numbers<[1], [0], [0], [1], [0, 0, 1, 1], [], []>, transpose_lhs_hint = false} : vector<2048x128xf32>, vector<128x128xf32>, vector<2048x128xf32> -> vector<2048x128xf32>
    %swap3A = arith.constant 0 : index
    %swap3A_10 = arith.constant 0 : index
    %swap3A_11 = arith.constant 0 : index
    %swap3A_12 = arith.constant 0 : index
    %swap3A_13 = vector.load %arg4[%swap3A, %swap3A_10, %swap3A_11, %swap3A_12] : memref<1x1x2048x128xf32, #tpu.memory_space<vmem>>, vector<1x1x2048x128xf32>
    %swap3A_14 = vector.shape_cast %swap3A_13 : vector<1x1x2048x128xf32> to vector<2048x128xf32>
    %swap3A_15 = vector.shape_cast %dot_general3A_9 : vector<2048x128xf32> to vector<1x1x2048x128xf32>
    tpu.vector_store %arg4[%swap3A, %swap3A_10, %swap3A_11, %swap3A_12], %swap3A_15 {strides = array<i32>} : memref<1x1x2048x128xf32, #tpu.memory_space<vmem>>, vector<1x1x2048x128xf32>,
    return
  }
  func.func @transform_0(%arg0: i32, %arg1: i32) -> (i32, i32, i32) {
    %c0_i32 = arith.constant 0 : i32
    %c0_i32_0 = arith.constant 0 : i32
    %c0_i32_1 = arith.constant 0 : i32
    return %arg0, %c0_i32, %c0_i32_0 : i32, i32, i32
  }
  func.func @transform_1(%arg0: i32, %arg1: i32) -> (i32, i32, i32) {
    %c0_i32 = arith.constant 0 : i32
    %c0_i32_0 = arith.constant 0 : i32
    %c0_i32_1 = arith.constant 0 : i32
    return %arg1, %c0_i32, %c0_i32_0 : i32, i32, i32
  }
  func.func @transform_2(%arg0: i32, %arg1: i32) -> (i32, i32, i32, i32) {
    %c0_i32 = arith.constant 0 : i32
    %c0_i32_0 = arith.constant 0 : i32
    %c0_i32_1 = arith.constant 0 : i32
    return %arg0, %arg1, %c0_i32, %c0_i32_0 : i32, i32, i32, i32
  }
}

module attributes {stable_mosaic.version = 14 : i64} {
  func.func @_topk_body(%arg0: i32, %arg1: i32, %arg2: memref<1x256x128xf32, #tpu.memory_space<vmem>>, %arg3: memref<1x128x2048xf32, #tpu.memory_space<vmem>>, %arg4: memref<256x16xi32, #tpu.memory_space<vmem>>, %arg5: memref<1x256x16xi32, #tpu.memory_space<vmem>>) attributes {dimension_semantics = [#tpu.dimension_semantics<arbitrary>, #tpu.dimension_semantics<arbitrary>], iteration_bounds = array<i64: 8, 8>, scalar_prefetch = 0 : i64, scratch_operands = 0 : i64, tpu.core_type = #tpu.core_type<tc>, window_params = [{transform_indices = @transform_0, window_bounds = array<i64: 1, 256, 128>}, {transform_indices = @transform_1, window_bounds = array<i64: 1, 128, 2048>}, {transform_indices = @transform_2, window_bounds = array<i64: 256, 16>}, {transform_indices = @transform_3, window_bounds = array<i64: 1, 256, 16>}]} {
    %get3A = arith.constant 0 : index
    %get3A_0 = arith.constant 0 : index
    %get3A_1 = arith.constant 0 : index
    %get3A_2 = vector.load %arg2[%get3A, %get3A_0, %get3A_1] : memref<1x256x128xf32, #tpu.memory_space<vmem>>, vector<1x256x128xf32>
    %get3A_3 = vector.shape_cast %get3A_2 : vector<1x256x128xf32> to vector<256x128xf32>
    %get3A_4 = arith.constant 0 : index
    %get3A_5 = arith.constant 0 : index
    %get3A_6 = arith.constant 0 : index
    %get3A_7 = vector.load %arg3[%get3A_4, %get3A_5, %get3A_6] : memref<1x128x2048xf32, #tpu.memory_space<vmem>>, vector<1x128x2048xf32>
    %get3A_8 = vector.shape_cast %get3A_7 : vector<1x128x2048xf32> to vector<128x2048xf32>
    %mul3A = arith.mulf %get3A_8, %get3A_8 : vector<128x2048xf32>
    %reduce_sum3A = arith.constant dense<0.000000e+00> : vector<2048xf32>
    %reduce_sum3A_9 = vector.multi_reduction <add>, %mul3A, %reduce_sum3A [0] : vector<128x2048xf32> to vector<2048xf32>
    %broadcast_in_dim3A = vector.shape_cast %reduce_sum3A_9 : vector<2048xf32> to vector<1x2048xf32>
    %dot_general3A = arith.constant dense<0.000000e+00> : vector<256x2048xf32>
    %dot_general3A_10 = tpu.matmul %get3A_3, %get3A_8, %dot_general3A {dimension_numbers = #tpu.dot_dimension_numbers<[1], [0], [0], [1], [0, 0, 1, 1], [], []>, transpose_lhs_hint = false} : vector<256x128xf32>, vector<128x2048xf32>, vector<256x2048xf32> -> vector<256x2048xf32>
    %mul3A_11 = arith.constant 2.000000e+00 : f32
    %mul3A_12 = vector.broadcast %mul3A_11 : f32 to vector<256x2048xf32>
    %mul3A_13 = arith.mulf %mul3A_12, %dot_general3A_10 : vector<256x2048xf32>
    %sub3A = vector.broadcast %broadcast_in_dim3A : vector<1x2048xf32> to vector<256x2048xf32>
    %sub3A_14 = arith.subf %mul3A_13, %sub3A : vector<256x2048xf32>
    %iota3A = tpu.iota {dimensions = array<i32: 1>} : vector<256x2048xi32>
    %iota3A_15 = tpu.iota {dimensions = array<i32: 1>} : vector<256x16xi32>
    %broadcast_in_dim3A_16 = arith.constant 0 : i32
    %broadcast_in_dim3A_17 = vector.broadcast %broadcast_in_dim3A_16 : i32 to vector<256x16xi32>
    %mul3A_18 = arith.constant 16384 : i32
    %mul3A_19 = arith.muli %arg0, %mul3A_18 : i32
    %reduce_max3A = arith.constant dense<0xFF800000> : vector<256xf32>
    %reduce_max3A_20 = vector.multi_reduction <maximumf>, %sub3A_14, %reduce_max3A [1] : vector<256x2048xf32> to vector<256xf32>
    %broadcast_in_dim3A_21 = vector.shape_cast %reduce_max3A_20 : vector<256xf32> to vector<256x1xf32>
    %ge3A = vector.broadcast %broadcast_in_dim3A_21 : vector<256x1xf32> to vector<256x2048xf32>
    %ge3A_22 = arith.cmpf oge, %sub3A_14, %ge3A : vector<256x2048xf32>
    %jit3A = arith.constant 1073741824 : i32
    %broadcast_in_dim3A_23 = vector.broadcast %jit3A : i32 to vector<256x2048xi32>
    %select_n3A = arith.select %ge3A_22, %iota3A, %broadcast_in_dim3A_23 : vector<256x2048xi1>, vector<256x2048xi32>
    %reduce_min3A = arith.constant dense<2147483647> : vector<256xi32>
    %reduce_min3A_24 = vector.multi_reduction <minsi>, %select_n3A, %reduce_min3A [1] : vector<256x2048xi32> to vector<256xi32>
    %broadcast_in_dim3A_25 = vector.shape_cast %reduce_min3A_24 : vector<256xi32> to vector<256x1xi32>
    %add3A = arith.constant 2048 : i32
    %add3A_26 = arith.addi %mul3A_19, %add3A : i32
    %add3A_27 = vector.broadcast %add3A_26 : i32 to vector<256x1xi32>
    %add3A_28 = arith.addi %broadcast_in_dim3A_25, %add3A_27 : vector<256x1xi32>
    %eq3A = arith.constant 0 : i32
    %eq3A_29 = vector.broadcast %eq3A : i32 to vector<256x16xi32>
    %eq3A_30 = arith.cmpi eq, %iota3A_15, %eq3A_29 : vector<256x16xi32>
    %broadcast_in_dim3A_31 = vector.shape_cast %add3A_28 : vector<256x1xi32> to vector<256x1xi32>
    %broadcast_in_dim3A_32 = vector.broadcast %broadcast_in_dim3A_31 : vector<256x1xi32> to vector<256x16xi32>
    %select_n3A_33 = arith.select %eq3A_30, %broadcast_in_dim3A_32, %broadcast_in_dim3A_17 : vector<256x16xi1>, vector<256x16xi32>
    %eq3A_34 = vector.broadcast %broadcast_in_dim3A_25 : vector<256x1xi32> to vector<256x2048xi32>
    %eq3A_35 = arith.cmpi eq, %iota3A, %eq3A_34 : vector<256x2048xi32>
    %jit3A_36 = arith.constant -3.000000e+38 : f32
    %broadcast_in_dim3A_37 = vector.broadcast %jit3A_36 : f32 to vector<256x2048xf32>
    %select_n3A_38 = arith.select %eq3A_35, %broadcast_in_dim3A_37, %sub3A_14 : vector<256x2048xi1>, vector<256x2048xf32>
    %reduce_max3A_39 = arith.constant dense<0xFF800000> : vector<256xf32>
    %reduce_max3A_40 = vector.multi_reduction <maximumf>, %select_n3A_38, %reduce_max3A_39 [1] : vector<256x2048xf32> to vector<256xf32>
    %broadcast_in_dim3A_41 = vector.shape_cast %reduce_max3A_40 : vector<256xf32> to vector<256x1xf32>
    %ge3A_42 = vector.broadcast %broadcast_in_dim3A_41 : vector<256x1xf32> to vector<256x2048xf32>
    %ge3A_43 = arith.cmpf oge, %select_n3A_38, %ge3A_42 : vector<256x2048xf32>
    %jit3A_44 = arith.constant 1073741824 : i32
    %broadcast_in_dim3A_45 = vector.broadcast %jit3A_44 : i32 to vector<256x2048xi32>
    %select_n3A_46 = arith.select %ge3A_43, %iota3A, %broadcast_in_dim3A_45 : vector<256x2048xi1>, vector<256x2048xi32>
    %reduce_min3A_47 = arith.constant dense<2147483647> : vector<256xi32>
    %reduce_min3A_48 = vector.multi_reduction <minsi>, %select_n3A_46, %reduce_min3A_47 [1] : vector<256x2048xi32> to vector<256xi32>
    %broadcast_in_dim3A_49 = vector.shape_cast %reduce_min3A_48 : vector<256xi32> to vector<256x1xi32>
    %add3A_50 = arith.constant 4096 : i32
    %add3A_51 = arith.addi %mul3A_19, %add3A_50 : i32
    %add3A_52 = vector.broadcast %add3A_51 : i32 to vector<256x1xi32>
    %add3A_53 = arith.addi %broadcast_in_dim3A_49, %add3A_52 : vector<256x1xi32>
    %eq3A_54 = arith.constant 1 : i32
    %eq3A_55 = vector.broadcast %eq3A_54 : i32 to vector<256x16xi32>
    %eq3A_56 = arith.cmpi eq, %iota3A_15, %eq3A_55 : vector<256x16xi32>
    %broadcast_in_dim3A_57 = vector.shape_cast %add3A_53 : vector<256x1xi32> to vector<256x1xi32>
    %broadcast_in_dim3A_58 = vector.broadcast %broadcast_in_dim3A_57 : vector<256x1xi32> to vector<256x16xi32>
    %select_n3A_59 = arith.select %eq3A_56, %broadcast_in_dim3A_58, %select_n3A_33 : vector<256x16xi1>, vector<256x16xi32>
    %eq3A_60 = vector.broadcast %broadcast_in_dim3A_49 : vector<256x1xi32> to vector<256x2048xi32>
    %eq3A_61 = arith.cmpi eq, %iota3A, %eq3A_60 : vector<256x2048xi32>
    %jit3A_62 = arith.constant -3.000000e+38 : f32
    %broadcast_in_dim3A_63 = vector.broadcast %jit3A_62 : f32 to vector<256x2048xf32>
    %select_n3A_64 = arith.select %eq3A_61, %broadcast_in_dim3A_63, %select_n3A_38 : vector<256x2048xi1>, vector<256x2048xf32>
    %reduce_max3A_65 = arith.constant dense<0xFF800000> : vector<256xf32>
    %reduce_max3A_66 = vector.multi_reduction <maximumf>, %select_n3A_64, %reduce_max3A_65 [1] : vector<256x2048xf32> to vector<256xf32>
    %broadcast_in_dim3A_67 = vector.shape_cast %reduce_max3A_66 : vector<256xf32> to vector<256x1xf32>
    %ge3A_68 = vector.broadcast %broadcast_in_dim3A_67 : vector<256x1xf32> to vector<256x2048xf32>
    %ge3A_69 = arith.cmpf oge, %select_n3A_64, %ge3A_68 : vector<256x2048xf32>
    %jit3A_70 = arith.constant 1073741824 : i32
    %broadcast_in_dim3A_71 = vector.broadcast %jit3A_70 : i32 to vector<256x2048xi32>
    %select_n3A_72 = arith.select %ge3A_69, %iota3A, %broadcast_in_dim3A_71 : vector<256x2048xi1>, vector<256x2048xi32>
    %reduce_min3A_73 = arith.constant dense<2147483647> : vector<256xi32>
    %reduce_min3A_74 = vector.multi_reduction <minsi>, %select_n3A_72, %reduce_min3A_73 [1] : vector<256x2048xi32> to vector<256xi32>
    %broadcast_in_dim3A_75 = vector.shape_cast %reduce_min3A_74 : vector<256xi32> to vector<256x1xi32>
    %add3A_76 = arith.constant 6144 : i32
    %add3A_77 = arith.addi %mul3A_19, %add3A_76 : i32
    %add3A_78 = vector.broadcast %add3A_77 : i32 to vector<256x1xi32>
    %add3A_79 = arith.addi %broadcast_in_dim3A_75, %add3A_78 : vector<256x1xi32>
    %eq3A_80 = arith.constant 2 : i32
    %eq3A_81 = vector.broadcast %eq3A_80 : i32 to vector<256x16xi32>
    %eq3A_82 = arith.cmpi eq, %iota3A_15, %eq3A_81 : vector<256x16xi32>
    %broadcast_in_dim3A_83 = vector.shape_cast %add3A_79 : vector<256x1xi32> to vector<256x1xi32>
    %broadcast_in_dim3A_84 = vector.broadcast %broadcast_in_dim3A_83 : vector<256x1xi32> to vector<256x16xi32>
    %select_n3A_85 = arith.select %eq3A_82, %broadcast_in_dim3A_84, %select_n3A_59 : vector<256x16xi1>, vector<256x16xi32>
    %eq3A_86 = vector.broadcast %broadcast_in_dim3A_75 : vector<256x1xi32> to vector<256x2048xi32>
    %eq3A_87 = arith.cmpi eq, %iota3A, %eq3A_86 : vector<256x2048xi32>
    %jit3A_88 = arith.constant -3.000000e+38 : f32
    %broadcast_in_dim3A_89 = vector.broadcast %jit3A_88 : f32 to vector<256x2048xf32>
    %select_n3A_90 = arith.select %eq3A_87, %broadcast_in_dim3A_89, %select_n3A_64 : vector<256x2048xi1>, vector<256x2048xf32>
    %reduce_max3A_91 = arith.constant dense<0xFF800000> : vector<256xf32>
    %reduce_max3A_92 = vector.multi_reduction <maximumf>, %select_n3A_90, %reduce_max3A_91 [1] : vector<256x2048xf32> to vector<256xf32>
    %broadcast_in_dim3A_93 = vector.shape_cast %reduce_max3A_92 : vector<256xf32> to vector<256x1xf32>
    %ge3A_94 = vector.broadcast %broadcast_in_dim3A_93 : vector<256x1xf32> to vector<256x2048xf32>
    %ge3A_95 = arith.cmpf oge, %select_n3A_90, %ge3A_94 : vector<256x2048xf32>
    %jit3A_96 = arith.constant 1073741824 : i32
    %broadcast_in_dim3A_97 = vector.broadcast %jit3A_96 : i32 to vector<256x2048xi32>
    %select_n3A_98 = arith.select %ge3A_95, %iota3A, %broadcast_in_dim3A_97 : vector<256x2048xi1>, vector<256x2048xi32>
    %reduce_min3A_99 = arith.constant dense<2147483647> : vector<256xi32>
    %reduce_min3A_100 = vector.multi_reduction <minsi>, %select_n3A_98, %reduce_min3A_99 [1] : vector<256x2048xi32> to vector<256xi32>
    %broadcast_in_dim3A_101 = vector.shape_cast %reduce_min3A_100 : vector<256xi32> to vector<256x1xi32>
    %add3A_102 = arith.constant 2048 : i32
    %add3A_103 = arith.addi %mul3A_19, %add3A_102 : i32
    %add3A_104 = vector.broadcast %add3A_103 : i32 to vector<256x1xi32>
    %add3A_105 = arith.addi %broadcast_in_dim3A_101, %add3A_104 : vector<256x1xi32>
    %eq3A_106 = arith.constant 3 : i32
    %eq3A_107 = vector.broadcast %eq3A_106 : i32 to vector<256x16xi32>
    %eq3A_108 = arith.cmpi eq, %iota3A_15, %eq3A_107 : vector<256x16xi32>
    %broadcast_in_dim3A_109 = vector.shape_cast %add3A_105 : vector<256x1xi32> to vector<256x1xi32>
    %broadcast_in_dim3A_110 = vector.broadcast %broadcast_in_dim3A_109 : vector<256x1xi32> to vector<256x16xi32>
    %select_n3A_111 = arith.select %eq3A_108, %broadcast_in_dim3A_110, %select_n3A_85 : vector<256x16xi1>, vector<256x16xi32>
    %eq3A_112 = vector.broadcast %broadcast_in_dim3A_101 : vector<256x1xi32> to vector<256x2048xi32>
    %eq3A_113 = arith.cmpi eq, %iota3A, %eq3A_112 : vector<256x2048xi32>
    %jit3A_114 = arith.constant -3.000000e+38 : f32
    %broadcast_in_dim3A_115 = vector.broadcast %jit3A_114 : f32 to vector<256x2048xf32>
    %select_n3A_116 = arith.select %eq3A_113, %broadcast_in_dim3A_115, %select_n3A_90 : vector<256x2048xi1>, vector<256x2048xf32>
    %reduce_max3A_117 = arith.constant dense<0xFF800000> : vector<256xf32>
    %reduce_max3A_118 = vector.multi_reduction <maximumf>, %select_n3A_116, %reduce_max3A_117 [1] : vector<256x2048xf32> to vector<256xf32>
    %broadcast_in_dim3A_119 = vector.shape_cast %reduce_max3A_118 : vector<256xf32> to vector<256x1xf32>
    %ge3A_120 = vector.broadcast %broadcast_in_dim3A_119 : vector<256x1xf32> to vector<256x2048xf32>
    %ge3A_121 = arith.cmpf oge, %select_n3A_116, %ge3A_120 : vector<256x2048xf32>
    %jit3A_122 = arith.constant 1073741824 : i32
    %broadcast_in_dim3A_123 = vector.broadcast %jit3A_122 : i32 to vector<256x2048xi32>
    %select_n3A_124 = arith.select %ge3A_121, %iota3A, %broadcast_in_dim3A_123 : vector<256x2048xi1>, vector<256x2048xi32>
    %reduce_min3A_125 = arith.constant dense<2147483647> : vector<256xi32>
    %reduce_min3A_126 = vector.multi_reduction <minsi>, %select_n3A_124, %reduce_min3A_125 [1] : vector<256x2048xi32> to vector<256xi32>
    %broadcast_in_dim3A_127 = vector.shape_cast %reduce_min3A_126 : vector<256xi32> to vector<256x1xi32>
    %add3A_128 = arith.constant 4096 : i32
    %add3A_129 = arith.addi %mul3A_19, %add3A_128 : i32
    %add3A_130 = vector.broadcast %add3A_129 : i32 to vector<256x1xi32>
    %add3A_131 = arith.addi %broadcast_in_dim3A_127, %add3A_130 : vector<256x1xi32>
    %eq3A_132 = arith.constant 4 : i32
    %eq3A_133 = vector.broadcast %eq3A_132 : i32 to vector<256x16xi32>
    %eq3A_134 = arith.cmpi eq, %iota3A_15, %eq3A_133 : vector<256x16xi32>
    %broadcast_in_dim3A_135 = vector.shape_cast %add3A_131 : vector<256x1xi32> to vector<256x1xi32>
    %broadcast_in_dim3A_136 = vector.broadcast %broadcast_in_dim3A_135 : vector<256x1xi32> to vector<256x16xi32>
    %select_n3A_137 = arith.select %eq3A_134, %broadcast_in_dim3A_136, %select_n3A_111 : vector<256x16xi1>, vector<256x16xi32>
    %eq3A_138 = vector.broadcast %broadcast_in_dim3A_127 : vector<256x1xi32> to vector<256x2048xi32>
    %eq3A_139 = arith.cmpi eq, %iota3A, %eq3A_138 : vector<256x2048xi32>
    %jit3A_140 = arith.constant -3.000000e+38 : f32
    %broadcast_in_dim3A_141 = vector.broadcast %jit3A_140 : f32 to vector<256x2048xf32>
    %select_n3A_142 = arith.select %eq3A_139, %broadcast_in_dim3A_141, %select_n3A_116 : vector<256x2048xi1>, vector<256x2048xf32>
    %reduce_max3A_143 = arith.constant dense<0xFF800000> : vector<256xf32>
    %reduce_max3A_144 = vector.multi_reduction <maximumf>, %select_n3A_142, %reduce_max3A_143 [1] : vector<256x2048xf32> to vector<256xf32>
    %broadcast_in_dim3A_145 = vector.shape_cast %reduce_max3A_144 : vector<256xf32> to vector<256x1xf32>
    %ge3A_146 = vector.broadcast %broadcast_in_dim3A_145 : vector<256x1xf32> to vector<256x2048xf32>
    %ge3A_147 = arith.cmpf oge, %select_n3A_142, %ge3A_146 : vector<256x2048xf32>
    %jit3A_148 = arith.constant 1073741824 : i32
    %broadcast_in_dim3A_149 = vector.broadcast %jit3A_148 : i32 to vector<256x2048xi32>
    %select_n3A_150 = arith.select %ge3A_147, %iota3A, %broadcast_in_dim3A_149 : vector<256x2048xi1>, vector<256x2048xi32>
    %reduce_min3A_151 = arith.constant dense<2147483647> : vector<256xi32>
    %reduce_min3A_152 = vector.multi_reduction <minsi>, %select_n3A_150, %reduce_min3A_151 [1] : vector<256x2048xi32> to vector<256xi32>
    %broadcast_in_dim3A_153 = vector.shape_cast %reduce_min3A_152 : vector<256xi32> to vector<256x1xi32>
    %add3A_154 = arith.constant 6144 : i32
    %add3A_155 = arith.addi %mul3A_19, %add3A_154 : i32
    %add3A_156 = vector.broadcast %add3A_155 : i32 to vector<256x1xi32>
    %add3A_157 = arith.addi %broadcast_in_dim3A_153, %add3A_156 : vector<256x1xi32>
    %eq3A_158 = arith.constant 5 : i32
    %eq3A_159 = vector.broadcast %eq3A_158 : i32 to vector<256x16xi32>
    %eq3A_160 = arith.cmpi eq, %iota3A_15, %eq3A_159 : vector<256x16xi32>
    %broadcast_in_dim3A_161 = vector.shape_cast %add3A_157 : vector<256x1xi32> to vector<256x1xi32>
    %broadcast_in_dim3A_162 = vector.broadcast %broadcast_in_dim3A_161 : vector<256x1xi32> to vector<256x16xi32>
    %select_n3A_163 = arith.select %eq3A_160, %broadcast_in_dim3A_162, %select_n3A_137 : vector<256x16xi1>, vector<256x16xi32>
    %eq3A_164 = vector.broadcast %broadcast_in_dim3A_153 : vector<256x1xi32> to vector<256x2048xi32>
    %eq3A_165 = arith.cmpi eq, %iota3A, %eq3A_164 : vector<256x2048xi32>
    %jit3A_166 = arith.constant -3.000000e+38 : f32
    %broadcast_in_dim3A_167 = vector.broadcast %jit3A_166 : f32 to vector<256x2048xf32>
    %select_n3A_168 = arith.select %eq3A_165, %broadcast_in_dim3A_167, %select_n3A_142 : vector<256x2048xi1>, vector<256x2048xf32>
    %reduce_max3A_169 = arith.constant dense<0xFF800000> : vector<256xf32>
    %reduce_max3A_170 = vector.multi_reduction <maximumf>, %select_n3A_168, %reduce_max3A_169 [1] : vector<256x2048xf32> to vector<256xf32>
    %broadcast_in_dim3A_171 = vector.shape_cast %reduce_max3A_170 : vector<256xf32> to vector<256x1xf32>
    %ge3A_172 = vector.broadcast %broadcast_in_dim3A_171 : vector<256x1xf32> to vector<256x2048xf32>
    %ge3A_173 = arith.cmpf oge, %select_n3A_168, %ge3A_172 : vector<256x2048xf32>
    %jit3A_174 = arith.constant 1073741824 : i32
    %broadcast_in_dim3A_175 = vector.broadcast %jit3A_174 : i32 to vector<256x2048xi32>
    %select_n3A_176 = arith.select %ge3A_173, %iota3A, %broadcast_in_dim3A_175 : vector<256x2048xi1>, vector<256x2048xi32>
    %reduce_min3A_177 = arith.constant dense<2147483647> : vector<256xi32>
    %reduce_min3A_178 = vector.multi_reduction <minsi>, %select_n3A_176, %reduce_min3A_177 [1] : vector<256x2048xi32> to vector<256xi32>
    %broadcast_in_dim3A_179 = vector.shape_cast %reduce_min3A_178 : vector<256xi32> to vector<256x1xi32>
    %add3A_180 = arith.constant 2048 : i32
    %add3A_181 = arith.addi %mul3A_19, %add3A_180 : i32
    %add3A_182 = vector.broadcast %add3A_181 : i32 to vector<256x1xi32>
    %add3A_183 = arith.addi %broadcast_in_dim3A_179, %add3A_182 : vector<256x1xi32>
    %eq3A_184 = arith.constant 6 : i32
    %eq3A_185 = vector.broadcast %eq3A_184 : i32 to vector<256x16xi32>
    %eq3A_186 = arith.cmpi eq, %iota3A_15, %eq3A_185 : vector<256x16xi32>
    %broadcast_in_dim3A_187 = vector.shape_cast %add3A_183 : vector<256x1xi32> to vector<256x1xi32>
    %broadcast_in_dim3A_188 = vector.broadcast %broadcast_in_dim3A_187 : vector<256x1xi32> to vector<256x16xi32>
    %select_n3A_189 = arith.select %eq3A_186, %broadcast_in_dim3A_188, %select_n3A_163 : vector<256x16xi1>, vector<256x16xi32>
    %eq3A_190 = vector.broadcast %broadcast_in_dim3A_179 : vector<256x1xi32> to vector<256x2048xi32>
    %eq3A_191 = arith.cmpi eq, %iota3A, %eq3A_190 : vector<256x2048xi32>
    %jit3A_192 = arith.constant -3.000000e+38 : f32
    %broadcast_in_dim3A_193 = vector.broadcast %jit3A_192 : f32 to vector<256x2048xf32>
    %select_n3A_194 = arith.select %eq3A_191, %broadcast_in_dim3A_193, %select_n3A_168 : vector<256x2048xi1>, vector<256x2048xf32>
    %reduce_max3A_195 = arith.constant dense<0xFF800000> : vector<256xf32>
    %reduce_max3A_196 = vector.multi_reduction <maximumf>, %select_n3A_194, %reduce_max3A_195 [1] : vector<256x2048xf32> to vector<256xf32>
    %broadcast_in_dim3A_197 = vector.shape_cast %reduce_max3A_196 : vector<256xf32> to vector<256x1xf32>
    %ge3A_198 = vector.broadcast %broadcast_in_dim3A_197 : vector<256x1xf32> to vector<256x2048xf32>
    %ge3A_199 = arith.cmpf oge, %select_n3A_194, %ge3A_198 : vector<256x2048xf32>
    %jit3A_200 = arith.constant 1073741824 : i32
    %broadcast_in_dim3A_201 = vector.broadcast %jit3A_200 : i32 to vector<256x2048xi32>
    %select_n3A_202 = arith.select %ge3A_199, %iota3A, %broadcast_in_dim3A_201 : vector<256x2048xi1>, vector<256x2048xi32>
    %reduce_min3A_203 = arith.constant dense<2147483647> : vector<256xi32>
    %reduce_min3A_204 = vector.multi_reduction <minsi>, %select_n3A_202, %reduce_min3A_203 [1] : vector<256x2048xi32> to vector<256xi32>
    %broadcast_in_dim3A_205 = vector.shape_cast %reduce_min3A_204 : vector<256xi32> to vector<256x1xi32>
    %add3A_206 = arith.constant 4096 : i32
    %add3A_207 = arith.addi %mul3A_19, %add3A_206 : i32
    %add3A_208 = vector.broadcast %add3A_207 : i32 to vector<256x1xi32>
    %add3A_209 = arith.addi %broadcast_in_dim3A_205, %add3A_208 : vector<256x1xi32>
    %eq3A_210 = arith.constant 7 : i32
    %eq3A_211 = vector.broadcast %eq3A_210 : i32 to vector<256x16xi32>
    %eq3A_212 = arith.cmpi eq, %iota3A_15, %eq3A_211 : vector<256x16xi32>
    %broadcast_in_dim3A_213 = vector.shape_cast %add3A_209 : vector<256x1xi32> to vector<256x1xi32>
    %broadcast_in_dim3A_214 = vector.broadcast %broadcast_in_dim3A_213 : vector<256x1xi32> to vector<256x16xi32>
    %select_n3A_215 = arith.select %eq3A_212, %broadcast_in_dim3A_214, %select_n3A_189 : vector<256x16xi1>, vector<256x16xi32>
    %eq3A_216 = vector.broadcast %broadcast_in_dim3A_205 : vector<256x1xi32> to vector<256x2048xi32>
    %eq3A_217 = arith.cmpi eq, %iota3A, %eq3A_216 : vector<256x2048xi32>
    %jit3A_218 = arith.constant -3.000000e+38 : f32
    %broadcast_in_dim3A_219 = vector.broadcast %jit3A_218 : f32 to vector<256x2048xf32>
    %select_n3A_220 = arith.select %eq3A_217, %broadcast_in_dim3A_219, %select_n3A_194 : vector<256x2048xi1>, vector<256x2048xf32>
    %reduce_max3A_221 = arith.constant dense<0xFF800000> : vector<256xf32>
    %reduce_max3A_222 = vector.multi_reduction <maximumf>, %select_n3A_220, %reduce_max3A_221 [1] : vector<256x2048xf32> to vector<256xf32>
    %broadcast_in_dim3A_223 = vector.shape_cast %reduce_max3A_222 : vector<256xf32> to vector<256x1xf32>
    %ge3A_224 = vector.broadcast %broadcast_in_dim3A_223 : vector<256x1xf32> to vector<256x2048xf32>
    %ge3A_225 = arith.cmpf oge, %select_n3A_220, %ge3A_224 : vector<256x2048xf32>
    %jit3A_226 = arith.constant 1073741824 : i32
    %broadcast_in_dim3A_227 = vector.broadcast %jit3A_226 : i32 to vector<256x2048xi32>
    %select_n3A_228 = arith.select %ge3A_225, %iota3A, %broadcast_in_dim3A_227 : vector<256x2048xi1>, vector<256x2048xi32>
    %reduce_min3A_229 = arith.constant dense<2147483647> : vector<256xi32>
    %reduce_min3A_230 = vector.multi_reduction <minsi>, %select_n3A_228, %reduce_min3A_229 [1] : vector<256x2048xi32> to vector<256xi32>
    %broadcast_in_dim3A_231 = vector.shape_cast %reduce_min3A_230 : vector<256xi32> to vector<256x1xi32>
    %add3A_232 = arith.constant 6144 : i32
    %add3A_233 = arith.addi %mul3A_19, %add3A_232 : i32
    %add3A_234 = vector.broadcast %add3A_233 : i32 to vector<256x1xi32>
    %add3A_235 = arith.addi %broadcast_in_dim3A_231, %add3A_234 : vector<256x1xi32>
    %eq3A_236 = arith.constant 8 : i32
    %eq3A_237 = vector.broadcast %eq3A_236 : i32 to vector<256x16xi32>
    %eq3A_238 = arith.cmpi eq, %iota3A_15, %eq3A_237 : vector<256x16xi32>
    %broadcast_in_dim3A_239 = vector.shape_cast %add3A_235 : vector<256x1xi32> to vector<256x1xi32>
    %broadcast_in_dim3A_240 = vector.broadcast %broadcast_in_dim3A_239 : vector<256x1xi32> to vector<256x16xi32>
    %select_n3A_241 = arith.select %eq3A_238, %broadcast_in_dim3A_240, %select_n3A_215 : vector<256x16xi1>, vector<256x16xi32>
    %swap3A = arith.constant 0 : index
    %swap3A_242 = arith.constant 0 : index
    %swap3A_243 = arith.constant 0 : index
    %swap3A_244 = vector.load %arg5[%swap3A, %swap3A_242, %swap3A_243] : memref<1x256x16xi32, #tpu.memory_space<vmem>>, vector<1x256x16xi32>
    %swap3A_245 = vector.shape_cast %swap3A_244 : vector<1x256x16xi32> to vector<256x16xi32>
    %swap3A_246 = vector.shape_cast %select_n3A_241 : vector<256x16xi32> to vector<1x256x16xi32>
    tpu.vector_store %arg5[%swap3A, %swap3A_242, %swap3A_243], %swap3A_246 {strides = array<i32>} : memref<1x256x16xi32, #tpu.memory_space<vmem>>, vector<1x256x16xi32>,
    return
  }
  func.func @transform_0(%arg0: i32, %arg1: i32) -> (i32, i32, i32) {
    %c0_i32 = arith.constant 0 : i32
    %c0_i32_0 = arith.constant 0 : i32
    return %arg0, %arg1, %c0_i32 : i32, i32, i32
  }
  func.func @transform_1(%arg0: i32, %arg1: i32) -> (i32, i32, i32) {
    %c0_i32 = arith.constant 0 : i32
    %c0_i32_0 = arith.constant 0 : i32
    %c0_i32_1 = arith.constant 0 : i32
    return %arg0, %c0_i32, %c0_i32_0 : i32, i32, i32
  }
  func.func @transform_2(%arg0: i32, %arg1: i32) -> (i32, i32) {
    %c0_i32 = arith.constant 0 : i32
    %c0_i32_0 = arith.constant 0 : i32
    return %arg1, %c0_i32 : i32, i32
  }
  func.func @transform_3(%arg0: i32, %arg1: i32) -> (i32, i32, i32) {
    %c0_i32 = arith.constant 0 : i32
    %c0_i32_0 = arith.constant 0 : i32
    return %arg0, %arg1, %c0_i32 : i32, i32, i32
  }
}

module attributes {stable_mosaic.version = 14 : i64} {
  func.func @_topk_body(%arg0: i32, %arg1: i32, %arg2: memref<1x256x8xf32, #tpu.memory_space<vmem>>, %arg3: memref<1x8x2048xf32, #tpu.memory_space<vmem>>, %arg4: memref<256x16xi32, #tpu.memory_space<vmem>>, %arg5: memref<1x256x16xi32, #tpu.memory_space<vmem>>) attributes {dimension_semantics = [#tpu.dimension_semantics<arbitrary>, #tpu.dimension_semantics<arbitrary>], iteration_bounds = array<i64: 8, 8>, scalar_prefetch = 0 : i64, scratch_operands = 0 : i64, tpu.core_type = #tpu.core_type<tc>, window_params = [{transform_indices = @transform_0, window_bounds = array<i64: 1, 256, 8>}, {transform_indices = @transform_1, window_bounds = array<i64: 1, 8, 2048>}, {transform_indices = @transform_2, window_bounds = array<i64: 256, 16>}, {transform_indices = @transform_3, window_bounds = array<i64: 1, 256, 16>}]} {
    %get3A = arith.constant 0 : index
    %get3A_0 = arith.constant 0 : index
    %get3A_1 = arith.constant 0 : index
    %get3A_2 = vector.load %arg2[%get3A, %get3A_0, %get3A_1] : memref<1x256x8xf32, #tpu.memory_space<vmem>>, vector<1x256x8xf32>
    %get3A_3 = vector.shape_cast %get3A_2 : vector<1x256x8xf32> to vector<256x8xf32>
    %get3A_4 = arith.constant 0 : index
    %get3A_5 = arith.constant 0 : index
    %get3A_6 = arith.constant 0 : index
    %get3A_7 = vector.load %arg3[%get3A_4, %get3A_5, %get3A_6] : memref<1x8x2048xf32, #tpu.memory_space<vmem>>, vector<1x8x2048xf32>
    %get3A_8 = vector.shape_cast %get3A_7 : vector<1x8x2048xf32> to vector<8x2048xf32>
    %mul3A = arith.mulf %get3A_8, %get3A_8 : vector<8x2048xf32>
    %reduce_sum3A = arith.constant dense<0.000000e+00> : vector<2048xf32>
    %reduce_sum3A_9 = vector.multi_reduction <add>, %mul3A, %reduce_sum3A [0] : vector<8x2048xf32> to vector<2048xf32>
    %broadcast_in_dim3A = vector.shape_cast %reduce_sum3A_9 : vector<2048xf32> to vector<1x2048xf32>
    %dot_general3A = arith.constant dense<0.000000e+00> : vector<256x2048xf32>
    %dot_general3A_10 = tpu.matmul %get3A_3, %get3A_8, %dot_general3A {dimension_numbers = #tpu.dot_dimension_numbers<[1], [0], [0], [1], [0, 0, 1, 1], [], []>, transpose_lhs_hint = false} : vector<256x8xf32>, vector<8x2048xf32>, vector<256x2048xf32> -> vector<256x2048xf32>
    %mul3A_11 = arith.constant 2.000000e+00 : f32
    %mul3A_12 = vector.broadcast %mul3A_11 : f32 to vector<256x2048xf32>
    %mul3A_13 = arith.mulf %mul3A_12, %dot_general3A_10 : vector<256x2048xf32>
    %sub3A = vector.broadcast %broadcast_in_dim3A : vector<1x2048xf32> to vector<256x2048xf32>
    %sub3A_14 = arith.subf %mul3A_13, %sub3A : vector<256x2048xf32>
    %iota3A = tpu.iota {dimensions = array<i32: 1>} : vector<256x2048xi32>
    %iota3A_15 = tpu.iota {dimensions = array<i32: 1>} : vector<256x16xi32>
    %broadcast_in_dim3A_16 = arith.constant 0 : i32
    %broadcast_in_dim3A_17 = vector.broadcast %broadcast_in_dim3A_16 : i32 to vector<256x16xi32>
    %mul3A_18 = arith.constant 16384 : i32
    %mul3A_19 = arith.muli %arg0, %mul3A_18 : i32
    %reduce_max3A = arith.constant dense<0xFF800000> : vector<256xf32>
    %reduce_max3A_20 = vector.multi_reduction <maximumf>, %sub3A_14, %reduce_max3A [1] : vector<256x2048xf32> to vector<256xf32>
    %broadcast_in_dim3A_21 = vector.shape_cast %reduce_max3A_20 : vector<256xf32> to vector<256x1xf32>
    %ge3A = vector.broadcast %broadcast_in_dim3A_21 : vector<256x1xf32> to vector<256x2048xf32>
    %ge3A_22 = arith.cmpf oge, %sub3A_14, %ge3A : vector<256x2048xf32>
    %jit3A = arith.constant 1073741824 : i32
    %broadcast_in_dim3A_23 = vector.broadcast %jit3A : i32 to vector<256x2048xi32>
    %select_n3A = arith.select %ge3A_22, %iota3A, %broadcast_in_dim3A_23 : vector<256x2048xi1>, vector<256x2048xi32>
    %reduce_min3A = arith.constant dense<2147483647> : vector<256xi32>
    %reduce_min3A_24 = vector.multi_reduction <minsi>, %select_n3A, %reduce_min3A [1] : vector<256x2048xi32> to vector<256xi32>
    %broadcast_in_dim3A_25 = vector.shape_cast %reduce_min3A_24 : vector<256xi32> to vector<256x1xi32>
    %add3A = arith.constant 10240 : i32
    %add3A_26 = arith.addi %mul3A_19, %add3A : i32
    %add3A_27 = vector.broadcast %add3A_26 : i32 to vector<256x1xi32>
    %add3A_28 = arith.addi %broadcast_in_dim3A_25, %add3A_27 : vector<256x1xi32>
    %eq3A = arith.constant 0 : i32
    %eq3A_29 = vector.broadcast %eq3A : i32 to vector<256x16xi32>
    %eq3A_30 = arith.cmpi eq, %iota3A_15, %eq3A_29 : vector<256x16xi32>
    %broadcast_in_dim3A_31 = vector.shape_cast %add3A_28 : vector<256x1xi32> to vector<256x1xi32>
    %broadcast_in_dim3A_32 = vector.broadcast %broadcast_in_dim3A_31 : vector<256x1xi32> to vector<256x16xi32>
    %select_n3A_33 = arith.select %eq3A_30, %broadcast_in_dim3A_32, %broadcast_in_dim3A_17 : vector<256x16xi1>, vector<256x16xi32>
    %eq3A_34 = vector.broadcast %broadcast_in_dim3A_25 : vector<256x1xi32> to vector<256x2048xi32>
    %eq3A_35 = arith.cmpi eq, %iota3A, %eq3A_34 : vector<256x2048xi32>
    %jit3A_36 = arith.constant -3.000000e+38 : f32
    %broadcast_in_dim3A_37 = vector.broadcast %jit3A_36 : f32 to vector<256x2048xf32>
    %select_n3A_38 = arith.select %eq3A_35, %broadcast_in_dim3A_37, %sub3A_14 : vector<256x2048xi1>, vector<256x2048xf32>
    %reduce_max3A_39 = arith.constant dense<0xFF800000> : vector<256xf32>
    %reduce_max3A_40 = vector.multi_reduction <maximumf>, %select_n3A_38, %reduce_max3A_39 [1] : vector<256x2048xf32> to vector<256xf32>
    %broadcast_in_dim3A_41 = vector.shape_cast %reduce_max3A_40 : vector<256xf32> to vector<256x1xf32>
    %ge3A_42 = vector.broadcast %broadcast_in_dim3A_41 : vector<256x1xf32> to vector<256x2048xf32>
    %ge3A_43 = arith.cmpf oge, %select_n3A_38, %ge3A_42 : vector<256x2048xf32>
    %jit3A_44 = arith.constant 1073741824 : i32
    %broadcast_in_dim3A_45 = vector.broadcast %jit3A_44 : i32 to vector<256x2048xi32>
    %select_n3A_46 = arith.select %ge3A_43, %iota3A, %broadcast_in_dim3A_45 : vector<256x2048xi1>, vector<256x2048xi32>
    %reduce_min3A_47 = arith.constant dense<2147483647> : vector<256xi32>
    %reduce_min3A_48 = vector.multi_reduction <minsi>, %select_n3A_46, %reduce_min3A_47 [1] : vector<256x2048xi32> to vector<256xi32>
    %broadcast_in_dim3A_49 = vector.shape_cast %reduce_min3A_48 : vector<256xi32> to vector<256x1xi32>
    %add3A_50 = arith.constant 12288 : i32
    %add3A_51 = arith.addi %mul3A_19, %add3A_50 : i32
    %add3A_52 = vector.broadcast %add3A_51 : i32 to vector<256x1xi32>
    %add3A_53 = arith.addi %broadcast_in_dim3A_49, %add3A_52 : vector<256x1xi32>
    %eq3A_54 = arith.constant 1 : i32
    %eq3A_55 = vector.broadcast %eq3A_54 : i32 to vector<256x16xi32>
    %eq3A_56 = arith.cmpi eq, %iota3A_15, %eq3A_55 : vector<256x16xi32>
    %broadcast_in_dim3A_57 = vector.shape_cast %add3A_53 : vector<256x1xi32> to vector<256x1xi32>
    %broadcast_in_dim3A_58 = vector.broadcast %broadcast_in_dim3A_57 : vector<256x1xi32> to vector<256x16xi32>
    %select_n3A_59 = arith.select %eq3A_56, %broadcast_in_dim3A_58, %select_n3A_33 : vector<256x16xi1>, vector<256x16xi32>
    %eq3A_60 = vector.broadcast %broadcast_in_dim3A_49 : vector<256x1xi32> to vector<256x2048xi32>
    %eq3A_61 = arith.cmpi eq, %iota3A, %eq3A_60 : vector<256x2048xi32>
    %jit3A_62 = arith.constant -3.000000e+38 : f32
    %broadcast_in_dim3A_63 = vector.broadcast %jit3A_62 : f32 to vector<256x2048xf32>
    %select_n3A_64 = arith.select %eq3A_61, %broadcast_in_dim3A_63, %select_n3A_38 : vector<256x2048xi1>, vector<256x2048xf32>
    %reduce_max3A_65 = arith.constant dense<0xFF800000> : vector<256xf32>
    %reduce_max3A_66 = vector.multi_reduction <maximumf>, %select_n3A_64, %reduce_max3A_65 [1] : vector<256x2048xf32> to vector<256xf32>
    %broadcast_in_dim3A_67 = vector.shape_cast %reduce_max3A_66 : vector<256xf32> to vector<256x1xf32>
    %ge3A_68 = vector.broadcast %broadcast_in_dim3A_67 : vector<256x1xf32> to vector<256x2048xf32>
    %ge3A_69 = arith.cmpf oge, %select_n3A_64, %ge3A_68 : vector<256x2048xf32>
    %jit3A_70 = arith.constant 1073741824 : i32
    %broadcast_in_dim3A_71 = vector.broadcast %jit3A_70 : i32 to vector<256x2048xi32>
    %select_n3A_72 = arith.select %ge3A_69, %iota3A, %broadcast_in_dim3A_71 : vector<256x2048xi1>, vector<256x2048xi32>
    %reduce_min3A_73 = arith.constant dense<2147483647> : vector<256xi32>
    %reduce_min3A_74 = vector.multi_reduction <minsi>, %select_n3A_72, %reduce_min3A_73 [1] : vector<256x2048xi32> to vector<256xi32>
    %broadcast_in_dim3A_75 = vector.shape_cast %reduce_min3A_74 : vector<256xi32> to vector<256x1xi32>
    %add3A_76 = arith.constant 14336 : i32
    %add3A_77 = arith.addi %mul3A_19, %add3A_76 : i32
    %add3A_78 = vector.broadcast %add3A_77 : i32 to vector<256x1xi32>
    %add3A_79 = arith.addi %broadcast_in_dim3A_75, %add3A_78 : vector<256x1xi32>
    %eq3A_80 = arith.constant 2 : i32
    %eq3A_81 = vector.broadcast %eq3A_80 : i32 to vector<256x16xi32>
    %eq3A_82 = arith.cmpi eq, %iota3A_15, %eq3A_81 : vector<256x16xi32>
    %broadcast_in_dim3A_83 = vector.shape_cast %add3A_79 : vector<256x1xi32> to vector<256x1xi32>
    %broadcast_in_dim3A_84 = vector.broadcast %broadcast_in_dim3A_83 : vector<256x1xi32> to vector<256x16xi32>
    %select_n3A_85 = arith.select %eq3A_82, %broadcast_in_dim3A_84, %select_n3A_59 : vector<256x16xi1>, vector<256x16xi32>
    %eq3A_86 = vector.broadcast %broadcast_in_dim3A_75 : vector<256x1xi32> to vector<256x2048xi32>
    %eq3A_87 = arith.cmpi eq, %iota3A, %eq3A_86 : vector<256x2048xi32>
    %jit3A_88 = arith.constant -3.000000e+38 : f32
    %broadcast_in_dim3A_89 = vector.broadcast %jit3A_88 : f32 to vector<256x2048xf32>
    %select_n3A_90 = arith.select %eq3A_87, %broadcast_in_dim3A_89, %select_n3A_64 : vector<256x2048xi1>, vector<256x2048xf32>
    %reduce_max3A_91 = arith.constant dense<0xFF800000> : vector<256xf32>
    %reduce_max3A_92 = vector.multi_reduction <maximumf>, %select_n3A_90, %reduce_max3A_91 [1] : vector<256x2048xf32> to vector<256xf32>
    %broadcast_in_dim3A_93 = vector.shape_cast %reduce_max3A_92 : vector<256xf32> to vector<256x1xf32>
    %ge3A_94 = vector.broadcast %broadcast_in_dim3A_93 : vector<256x1xf32> to vector<256x2048xf32>
    %ge3A_95 = arith.cmpf oge, %select_n3A_90, %ge3A_94 : vector<256x2048xf32>
    %jit3A_96 = arith.constant 1073741824 : i32
    %broadcast_in_dim3A_97 = vector.broadcast %jit3A_96 : i32 to vector<256x2048xi32>
    %select_n3A_98 = arith.select %ge3A_95, %iota3A, %broadcast_in_dim3A_97 : vector<256x2048xi1>, vector<256x2048xi32>
    %reduce_min3A_99 = arith.constant dense<2147483647> : vector<256xi32>
    %reduce_min3A_100 = vector.multi_reduction <minsi>, %select_n3A_98, %reduce_min3A_99 [1] : vector<256x2048xi32> to vector<256xi32>
    %broadcast_in_dim3A_101 = vector.shape_cast %reduce_min3A_100 : vector<256xi32> to vector<256x1xi32>
    %add3A_102 = arith.constant 10240 : i32
    %add3A_103 = arith.addi %mul3A_19, %add3A_102 : i32
    %add3A_104 = vector.broadcast %add3A_103 : i32 to vector<256x1xi32>
    %add3A_105 = arith.addi %broadcast_in_dim3A_101, %add3A_104 : vector<256x1xi32>
    %eq3A_106 = arith.constant 3 : i32
    %eq3A_107 = vector.broadcast %eq3A_106 : i32 to vector<256x16xi32>
    %eq3A_108 = arith.cmpi eq, %iota3A_15, %eq3A_107 : vector<256x16xi32>
    %broadcast_in_dim3A_109 = vector.shape_cast %add3A_105 : vector<256x1xi32> to vector<256x1xi32>
    %broadcast_in_dim3A_110 = vector.broadcast %broadcast_in_dim3A_109 : vector<256x1xi32> to vector<256x16xi32>
    %select_n3A_111 = arith.select %eq3A_108, %broadcast_in_dim3A_110, %select_n3A_85 : vector<256x16xi1>, vector<256x16xi32>
    %eq3A_112 = vector.broadcast %broadcast_in_dim3A_101 : vector<256x1xi32> to vector<256x2048xi32>
    %eq3A_113 = arith.cmpi eq, %iota3A, %eq3A_112 : vector<256x2048xi32>
    %jit3A_114 = arith.constant -3.000000e+38 : f32
    %broadcast_in_dim3A_115 = vector.broadcast %jit3A_114 : f32 to vector<256x2048xf32>
    %select_n3A_116 = arith.select %eq3A_113, %broadcast_in_dim3A_115, %select_n3A_90 : vector<256x2048xi1>, vector<256x2048xf32>
    %reduce_max3A_117 = arith.constant dense<0xFF800000> : vector<256xf32>
    %reduce_max3A_118 = vector.multi_reduction <maximumf>, %select_n3A_116, %reduce_max3A_117 [1] : vector<256x2048xf32> to vector<256xf32>
    %broadcast_in_dim3A_119 = vector.shape_cast %reduce_max3A_118 : vector<256xf32> to vector<256x1xf32>
    %ge3A_120 = vector.broadcast %broadcast_in_dim3A_119 : vector<256x1xf32> to vector<256x2048xf32>
    %ge3A_121 = arith.cmpf oge, %select_n3A_116, %ge3A_120 : vector<256x2048xf32>
    %jit3A_122 = arith.constant 1073741824 : i32
    %broadcast_in_dim3A_123 = vector.broadcast %jit3A_122 : i32 to vector<256x2048xi32>
    %select_n3A_124 = arith.select %ge3A_121, %iota3A, %broadcast_in_dim3A_123 : vector<256x2048xi1>, vector<256x2048xi32>
    %reduce_min3A_125 = arith.constant dense<2147483647> : vector<256xi32>
    %reduce_min3A_126 = vector.multi_reduction <minsi>, %select_n3A_124, %reduce_min3A_125 [1] : vector<256x2048xi32> to vector<256xi32>
    %broadcast_in_dim3A_127 = vector.shape_cast %reduce_min3A_126 : vector<256xi32> to vector<256x1xi32>
    %add3A_128 = arith.constant 12288 : i32
    %add3A_129 = arith.addi %mul3A_19, %add3A_128 : i32
    %add3A_130 = vector.broadcast %add3A_129 : i32 to vector<256x1xi32>
    %add3A_131 = arith.addi %broadcast_in_dim3A_127, %add3A_130 : vector<256x1xi32>
    %eq3A_132 = arith.constant 4 : i32
    %eq3A_133 = vector.broadcast %eq3A_132 : i32 to vector<256x16xi32>
    %eq3A_134 = arith.cmpi eq, %iota3A_15, %eq3A_133 : vector<256x16xi32>
    %broadcast_in_dim3A_135 = vector.shape_cast %add3A_131 : vector<256x1xi32> to vector<256x1xi32>
    %broadcast_in_dim3A_136 = vector.broadcast %broadcast_in_dim3A_135 : vector<256x1xi32> to vector<256x16xi32>
    %select_n3A_137 = arith.select %eq3A_134, %broadcast_in_dim3A_136, %select_n3A_111 : vector<256x16xi1>, vector<256x16xi32>
    %eq3A_138 = vector.broadcast %broadcast_in_dim3A_127 : vector<256x1xi32> to vector<256x2048xi32>
    %eq3A_139 = arith.cmpi eq, %iota3A, %eq3A_138 : vector<256x2048xi32>
    %jit3A_140 = arith.constant -3.000000e+38 : f32
    %broadcast_in_dim3A_141 = vector.broadcast %jit3A_140 : f32 to vector<256x2048xf32>
    %select_n3A_142 = arith.select %eq3A_139, %broadcast_in_dim3A_141, %select_n3A_116 : vector<256x2048xi1>, vector<256x2048xf32>
    %reduce_max3A_143 = arith.constant dense<0xFF800000> : vector<256xf32>
    %reduce_max3A_144 = vector.multi_reduction <maximumf>, %select_n3A_142, %reduce_max3A_143 [1] : vector<256x2048xf32> to vector<256xf32>
    %broadcast_in_dim3A_145 = vector.shape_cast %reduce_max3A_144 : vector<256xf32> to vector<256x1xf32>
    %ge3A_146 = vector.broadcast %broadcast_in_dim3A_145 : vector<256x1xf32> to vector<256x2048xf32>
    %ge3A_147 = arith.cmpf oge, %select_n3A_142, %ge3A_146 : vector<256x2048xf32>
    %jit3A_148 = arith.constant 1073741824 : i32
    %broadcast_in_dim3A_149 = vector.broadcast %jit3A_148 : i32 to vector<256x2048xi32>
    %select_n3A_150 = arith.select %ge3A_147, %iota3A, %broadcast_in_dim3A_149 : vector<256x2048xi1>, vector<256x2048xi32>
    %reduce_min3A_151 = arith.constant dense<2147483647> : vector<256xi32>
    %reduce_min3A_152 = vector.multi_reduction <minsi>, %select_n3A_150, %reduce_min3A_151 [1] : vector<256x2048xi32> to vector<256xi32>
    %broadcast_in_dim3A_153 = vector.shape_cast %reduce_min3A_152 : vector<256xi32> to vector<256x1xi32>
    %add3A_154 = arith.constant 14336 : i32
    %add3A_155 = arith.addi %mul3A_19, %add3A_154 : i32
    %add3A_156 = vector.broadcast %add3A_155 : i32 to vector<256x1xi32>
    %add3A_157 = arith.addi %broadcast_in_dim3A_153, %add3A_156 : vector<256x1xi32>
    %eq3A_158 = arith.constant 5 : i32
    %eq3A_159 = vector.broadcast %eq3A_158 : i32 to vector<256x16xi32>
    %eq3A_160 = arith.cmpi eq, %iota3A_15, %eq3A_159 : vector<256x16xi32>
    %broadcast_in_dim3A_161 = vector.shape_cast %add3A_157 : vector<256x1xi32> to vector<256x1xi32>
    %broadcast_in_dim3A_162 = vector.broadcast %broadcast_in_dim3A_161 : vector<256x1xi32> to vector<256x16xi32>
    %select_n3A_163 = arith.select %eq3A_160, %broadcast_in_dim3A_162, %select_n3A_137 : vector<256x16xi1>, vector<256x16xi32>
    %eq3A_164 = vector.broadcast %broadcast_in_dim3A_153 : vector<256x1xi32> to vector<256x2048xi32>
    %eq3A_165 = arith.cmpi eq, %iota3A, %eq3A_164 : vector<256x2048xi32>
    %jit3A_166 = arith.constant -3.000000e+38 : f32
    %broadcast_in_dim3A_167 = vector.broadcast %jit3A_166 : f32 to vector<256x2048xf32>
    %select_n3A_168 = arith.select %eq3A_165, %broadcast_in_dim3A_167, %select_n3A_142 : vector<256x2048xi1>, vector<256x2048xf32>
    %reduce_max3A_169 = arith.constant dense<0xFF800000> : vector<256xf32>
    %reduce_max3A_170 = vector.multi_reduction <maximumf>, %select_n3A_168, %reduce_max3A_169 [1] : vector<256x2048xf32> to vector<256xf32>
    %broadcast_in_dim3A_171 = vector.shape_cast %reduce_max3A_170 : vector<256xf32> to vector<256x1xf32>
    %ge3A_172 = vector.broadcast %broadcast_in_dim3A_171 : vector<256x1xf32> to vector<256x2048xf32>
    %ge3A_173 = arith.cmpf oge, %select_n3A_168, %ge3A_172 : vector<256x2048xf32>
    %jit3A_174 = arith.constant 1073741824 : i32
    %broadcast_in_dim3A_175 = vector.broadcast %jit3A_174 : i32 to vector<256x2048xi32>
    %select_n3A_176 = arith.select %ge3A_173, %iota3A, %broadcast_in_dim3A_175 : vector<256x2048xi1>, vector<256x2048xi32>
    %reduce_min3A_177 = arith.constant dense<2147483647> : vector<256xi32>
    %reduce_min3A_178 = vector.multi_reduction <minsi>, %select_n3A_176, %reduce_min3A_177 [1] : vector<256x2048xi32> to vector<256xi32>
    %broadcast_in_dim3A_179 = vector.shape_cast %reduce_min3A_178 : vector<256xi32> to vector<256x1xi32>
    %add3A_180 = arith.constant 10240 : i32
    %add3A_181 = arith.addi %mul3A_19, %add3A_180 : i32
    %add3A_182 = vector.broadcast %add3A_181 : i32 to vector<256x1xi32>
    %add3A_183 = arith.addi %broadcast_in_dim3A_179, %add3A_182 : vector<256x1xi32>
    %eq3A_184 = arith.constant 6 : i32
    %eq3A_185 = vector.broadcast %eq3A_184 : i32 to vector<256x16xi32>
    %eq3A_186 = arith.cmpi eq, %iota3A_15, %eq3A_185 : vector<256x16xi32>
    %broadcast_in_dim3A_187 = vector.shape_cast %add3A_183 : vector<256x1xi32> to vector<256x1xi32>
    %broadcast_in_dim3A_188 = vector.broadcast %broadcast_in_dim3A_187 : vector<256x1xi32> to vector<256x16xi32>
    %select_n3A_189 = arith.select %eq3A_186, %broadcast_in_dim3A_188, %select_n3A_163 : vector<256x16xi1>, vector<256x16xi32>
    %eq3A_190 = vector.broadcast %broadcast_in_dim3A_179 : vector<256x1xi32> to vector<256x2048xi32>
    %eq3A_191 = arith.cmpi eq, %iota3A, %eq3A_190 : vector<256x2048xi32>
    %jit3A_192 = arith.constant -3.000000e+38 : f32
    %broadcast_in_dim3A_193 = vector.broadcast %jit3A_192 : f32 to vector<256x2048xf32>
    %select_n3A_194 = arith.select %eq3A_191, %broadcast_in_dim3A_193, %select_n3A_168 : vector<256x2048xi1>, vector<256x2048xf32>
    %reduce_max3A_195 = arith.constant dense<0xFF800000> : vector<256xf32>
    %reduce_max3A_196 = vector.multi_reduction <maximumf>, %select_n3A_194, %reduce_max3A_195 [1] : vector<256x2048xf32> to vector<256xf32>
    %broadcast_in_dim3A_197 = vector.shape_cast %reduce_max3A_196 : vector<256xf32> to vector<256x1xf32>
    %ge3A_198 = vector.broadcast %broadcast_in_dim3A_197 : vector<256x1xf32> to vector<256x2048xf32>
    %ge3A_199 = arith.cmpf oge, %select_n3A_194, %ge3A_198 : vector<256x2048xf32>
    %jit3A_200 = arith.constant 1073741824 : i32
    %broadcast_in_dim3A_201 = vector.broadcast %jit3A_200 : i32 to vector<256x2048xi32>
    %select_n3A_202 = arith.select %ge3A_199, %iota3A, %broadcast_in_dim3A_201 : vector<256x2048xi1>, vector<256x2048xi32>
    %reduce_min3A_203 = arith.constant dense<2147483647> : vector<256xi32>
    %reduce_min3A_204 = vector.multi_reduction <minsi>, %select_n3A_202, %reduce_min3A_203 [1] : vector<256x2048xi32> to vector<256xi32>
    %broadcast_in_dim3A_205 = vector.shape_cast %reduce_min3A_204 : vector<256xi32> to vector<256x1xi32>
    %add3A_206 = arith.constant 12288 : i32
    %add3A_207 = arith.addi %mul3A_19, %add3A_206 : i32
    %add3A_208 = vector.broadcast %add3A_207 : i32 to vector<256x1xi32>
    %add3A_209 = arith.addi %broadcast_in_dim3A_205, %add3A_208 : vector<256x1xi32>
    %eq3A_210 = arith.constant 7 : i32
    %eq3A_211 = vector.broadcast %eq3A_210 : i32 to vector<256x16xi32>
    %eq3A_212 = arith.cmpi eq, %iota3A_15, %eq3A_211 : vector<256x16xi32>
    %broadcast_in_dim3A_213 = vector.shape_cast %add3A_209 : vector<256x1xi32> to vector<256x1xi32>
    %broadcast_in_dim3A_214 = vector.broadcast %broadcast_in_dim3A_213 : vector<256x1xi32> to vector<256x16xi32>
    %select_n3A_215 = arith.select %eq3A_212, %broadcast_in_dim3A_214, %select_n3A_189 : vector<256x16xi1>, vector<256x16xi32>
    %eq3A_216 = vector.broadcast %broadcast_in_dim3A_205 : vector<256x1xi32> to vector<256x2048xi32>
    %eq3A_217 = arith.cmpi eq, %iota3A, %eq3A_216 : vector<256x2048xi32>
    %jit3A_218 = arith.constant -3.000000e+38 : f32
    %broadcast_in_dim3A_219 = vector.broadcast %jit3A_218 : f32 to vector<256x2048xf32>
    %select_n3A_220 = arith.select %eq3A_217, %broadcast_in_dim3A_219, %select_n3A_194 : vector<256x2048xi1>, vector<256x2048xf32>
    %reduce_max3A_221 = arith.constant dense<0xFF800000> : vector<256xf32>
    %reduce_max3A_222 = vector.multi_reduction <maximumf>, %select_n3A_220, %reduce_max3A_221 [1] : vector<256x2048xf32> to vector<256xf32>
    %broadcast_in_dim3A_223 = vector.shape_cast %reduce_max3A_222 : vector<256xf32> to vector<256x1xf32>
    %ge3A_224 = vector.broadcast %broadcast_in_dim3A_223 : vector<256x1xf32> to vector<256x2048xf32>
    %ge3A_225 = arith.cmpf oge, %select_n3A_220, %ge3A_224 : vector<256x2048xf32>
    %jit3A_226 = arith.constant 1073741824 : i32
    %broadcast_in_dim3A_227 = vector.broadcast %jit3A_226 : i32 to vector<256x2048xi32>
    %select_n3A_228 = arith.select %ge3A_225, %iota3A, %broadcast_in_dim3A_227 : vector<256x2048xi1>, vector<256x2048xi32>
    %reduce_min3A_229 = arith.constant dense<2147483647> : vector<256xi32>
    %reduce_min3A_230 = vector.multi_reduction <minsi>, %select_n3A_228, %reduce_min3A_229 [1] : vector<256x2048xi32> to vector<256xi32>
    %broadcast_in_dim3A_231 = vector.shape_cast %reduce_min3A_230 : vector<256xi32> to vector<256x1xi32>
    %add3A_232 = arith.constant 14336 : i32
    %add3A_233 = arith.addi %mul3A_19, %add3A_232 : i32
    %add3A_234 = vector.broadcast %add3A_233 : i32 to vector<256x1xi32>
    %add3A_235 = arith.addi %broadcast_in_dim3A_231, %add3A_234 : vector<256x1xi32>
    %eq3A_236 = arith.constant 8 : i32
    %eq3A_237 = vector.broadcast %eq3A_236 : i32 to vector<256x16xi32>
    %eq3A_238 = arith.cmpi eq, %iota3A_15, %eq3A_237 : vector<256x16xi32>
    %broadcast_in_dim3A_239 = vector.shape_cast %add3A_235 : vector<256x1xi32> to vector<256x1xi32>
    %broadcast_in_dim3A_240 = vector.broadcast %broadcast_in_dim3A_239 : vector<256x1xi32> to vector<256x16xi32>
    %select_n3A_241 = arith.select %eq3A_238, %broadcast_in_dim3A_240, %select_n3A_215 : vector<256x16xi1>, vector<256x16xi32>
    %swap3A = arith.constant 0 : index
    %swap3A_242 = arith.constant 0 : index
    %swap3A_243 = arith.constant 0 : index
    %swap3A_244 = vector.load %arg5[%swap3A, %swap3A_242, %swap3A_243] : memref<1x256x16xi32, #tpu.memory_space<vmem>>, vector<1x256x16xi32>
    %swap3A_245 = vector.shape_cast %swap3A_244 : vector<1x256x16xi32> to vector<256x16xi32>
    %swap3A_246 = vector.shape_cast %select_n3A_241 : vector<256x16xi32> to vector<1x256x16xi32>
    tpu.vector_store %arg5[%swap3A, %swap3A_242, %swap3A_243], %swap3A_246 {strides = array<i32>} : memref<1x256x16xi32, #tpu.memory_space<vmem>>, vector<1x256x16xi32>,
    return
  }
  func.func @transform_0(%arg0: i32, %arg1: i32) -> (i32, i32, i32) {
    %c0_i32 = arith.constant 0 : i32
    %c0_i32_0 = arith.constant 0 : i32
    return %arg0, %arg1, %c0_i32 : i32, i32, i32
  }
  func.func @transform_1(%arg0: i32, %arg1: i32) -> (i32, i32, i32) {
    %c0_i32 = arith.constant 0 : i32
    %c0_i32_0 = arith.constant 0 : i32
    %c0_i32_1 = arith.constant 0 : i32
    return %arg0, %c0_i32, %c0_i32_0 : i32, i32, i32
  }
  func.func @transform_2(%arg0: i32, %arg1: i32) -> (i32, i32) {
    %c0_i32 = arith.constant 0 : i32
    %c0_i32_0 = arith.constant 0 : i32
    return %arg1, %c0_i32 : i32, i32
  }
  func.func @transform_3(%arg0: i32, %arg1: i32) -> (i32, i32, i32) {
    %c0_i32 = arith.constant 0 : i32
    %c0_i32_0 = arith.constant 0 : i32
    return %arg0, %arg1, %c0_i32 : i32, i32, i32
  }
}

module attributes {stable_mosaic.version = 14 : i64} {
  func.func @_assemble_body(%arg0: i32, %arg1: i32, %arg2: i32, %arg3: memref<1x1x512x1152xf32, #tpu.memory_space<vmem>>, %arg4: memref<1x1x512x128xf32, #tpu.memory_space<vmem>>, %arg5: memref<1x1x512x384xf32, #tpu.memory_space<vmem>>, %arg6: memref<1x8x128xf32, #tpu.memory_space<vmem>>) attributes {dimension_semantics = [#tpu.dimension_semantics<arbitrary>, #tpu.dimension_semantics<arbitrary>, #tpu.dimension_semantics<arbitrary>], iteration_bounds = array<i64: 2, 8, 4>, scalar_prefetch = 0 : i64, scratch_operands = 0 : i64, tpu.core_type = #tpu.core_type<tc>, window_params = [{transform_indices = @transform_0, window_bounds = array<i64: 1, 1, 512, 1152>}, {transform_indices = @transform_1, window_bounds = array<i64: 1, 1, 512, 128>}, {transform_indices = @transform_2, window_bounds = array<i64: 1, 1, 512, 384>}, {transform_indices = @transform_3, window_bounds = array<i64: 1, 8, 128>}]} {
    %eq3A = arith.constant 0 : i32
    %eq3A_0 = arith.cmpi eq, %arg1, %eq3A : i32
    %eq3A_1 = arith.constant 0 : i32
    %eq3A_2 = arith.cmpi eq, %arg2, %eq3A_1 : i32
    %and3A = arith.andi %eq3A_0, %eq3A_2 : i1
    %convert_element_type3A = arith.extui %and3A : i1 to i32
    %cond3A = arith.constant 0 : i32
    %cond3A_3 = arith.cmpi ne, %convert_element_type3A, %cond3A : i32
    scf.if %cond3A_3 {
      %broadcast_in_dim3A_102 = arith.constant 0.000000e+00 : f32
      %broadcast_in_dim3A_103 = vector.broadcast %broadcast_in_dim3A_102 : f32 to vector<8x128xf32>
      %swap3A_104 = arith.constant 0 : index
      %swap3A_105 = arith.constant 0 : index
      %swap3A_106 = arith.constant 0 : index
      %swap3A_107 = vector.load %arg6[%swap3A_104, %swap3A_105, %swap3A_106] : memref<1x8x128xf32, #tpu.memory_space<vmem>>, vector<1x8x128xf32>
      %swap3A_108 = vector.shape_cast %swap3A_107 : vector<1x8x128xf32> to vector<8x128xf32>
      %swap3A_109 = vector.shape_cast %broadcast_in_dim3A_103 : vector<8x128xf32> to vector<1x8x128xf32>
      tpu.vector_store %arg6[%swap3A_104, %swap3A_105, %swap3A_106], %swap3A_109 {strides = array<i32>} : memref<1x8x128xf32, #tpu.memory_space<vmem>>, vector<1x8x128xf32>,
    } else {
    }
    %get3A = arith.constant 0 : index
    %get3A_4 = arith.constant 0 : index
    %get3A_5 = arith.constant 0 : index
    %get3A_6 = arith.constant 0 : index
    %get3A_7 = vector.load %arg3[%get3A, %get3A_4, %get3A_5, %get3A_6] : memref<1x1x512x1152xf32, #tpu.memory_space<vmem>>, vector<1x1x512x1152xf32>
    %get3A_8 = vector.shape_cast %get3A_7 : vector<1x1x512x1152xf32> to vector<512x1152xf32>
    %get3A_9 = arith.constant 0 : index
    %get3A_10 = arith.constant 0 : index
    %get3A_11 = arith.constant 0 : index
    %get3A_12 = arith.constant 0 : index
    %get3A_13 = vector.load %arg4[%get3A_9, %get3A_10, %get3A_11, %get3A_12] : memref<1x1x512x128xf32, #tpu.memory_space<vmem>>, vector<1x1x512x128xf32>
    %get3A_14 = vector.shape_cast %get3A_13 : vector<1x1x512x128xf32> to vector<512x128xf32>
    %broadcast_in_dim3A = arith.constant 0.000000e+00 : f32
    %broadcast_in_dim3A_15 = vector.broadcast %broadcast_in_dim3A : f32 to vector<1x128xf32>
    %broadcast_in_dim3A_16 = arith.constant 0.000000e+00 : f32
    %broadcast_in_dim3A_17 = vector.broadcast %broadcast_in_dim3A_16 : f32 to vector<1x128xf32>
    %slice3A = vector.extract_strided_slice %get3A_8 {offsets = [0, 0], sizes = [512, 128], strides = [1, 1]} : vector<512x1152xf32> to vector<512x128xf32>
    %slice3A_18 = vector.extract_strided_slice %get3A_8 {offsets = [0, 128], sizes = [512, 128], strides = [1, 1]} : vector<512x1152xf32> to vector<512x128xf32>
    %add3A = arith.addf %slice3A, %slice3A_18 : vector<512x128xf32>
    %slice3A_19 = vector.extract_strided_slice %get3A_8 {offsets = [0, 256], sizes = [512, 128], strides = [1, 1]} : vector<512x1152xf32> to vector<512x128xf32>
    %add3A_20 = arith.addf %add3A, %slice3A_19 : vector<512x128xf32>
    %sub3A = arith.subf %get3A_14, %add3A_20 : vector<512x128xf32>
    %swap3A = arith.constant 0 : index
    %swap3A_21 = arith.constant 0 : index
    %swap3A_22 = arith.constant 0 : index
    %swap3A_23 = arith.constant 0 : index
    %swap3A_24 = vector.load %arg5[%swap3A, %swap3A_21, %swap3A_22, %swap3A_23] : memref<1x1x512x384xf32, #tpu.memory_space<vmem>>, vector<1x1x512x128xf32>
    %swap3A_25 = vector.shape_cast %swap3A_24 : vector<1x1x512x128xf32> to vector<512x128xf32>
    %swap3A_26 = vector.shape_cast %sub3A : vector<512x128xf32> to vector<1x1x512x128xf32>
    tpu.vector_store %arg5[%swap3A, %swap3A_21, %swap3A_22, %swap3A_23], %swap3A_26 {strides = array<i32>} : memref<1x1x512x384xf32, #tpu.memory_space<vmem>>, vector<1x1x512x128xf32>,
    %reduce_sum3A = arith.constant dense<0.000000e+00> : vector<128xf32>
    %reduce_sum3A_27 = vector.multi_reduction <add>, %sub3A, %reduce_sum3A [0] : vector<512x128xf32> to vector<128xf32>
    %broadcast_in_dim3A_28 = vector.shape_cast %reduce_sum3A_27 : vector<128xf32> to vector<1x128xf32>
    %add3A_29 = arith.addf %broadcast_in_dim3A_15, %broadcast_in_dim3A_28 : vector<1x128xf32>
    %mul3A = arith.mulf %sub3A, %sub3A : vector<512x128xf32>
    %reduce_sum3A_30 = arith.constant dense<0.000000e+00> : vector<128xf32>
    %reduce_sum3A_31 = vector.multi_reduction <add>, %mul3A, %reduce_sum3A_30 [0] : vector<512x128xf32> to vector<128xf32>
    %broadcast_in_dim3A_32 = vector.shape_cast %reduce_sum3A_31 : vector<128xf32> to vector<1x128xf32>
    %add3A_33 = arith.addf %broadcast_in_dim3A_17, %broadcast_in_dim3A_32 : vector<1x128xf32>
    %slice3A_34 = vector.extract_strided_slice %get3A_8 {offsets = [0, 384], sizes = [512, 128], strides = [1, 1]} : vector<512x1152xf32> to vector<512x128xf32>
    %slice3A_35 = vector.extract_strided_slice %get3A_8 {offsets = [0, 512], sizes = [512, 128], strides = [1, 1]} : vector<512x1152xf32> to vector<512x128xf32>
    %add3A_36 = arith.addf %slice3A_34, %slice3A_35 : vector<512x128xf32>
    %slice3A_37 = vector.extract_strided_slice %get3A_8 {offsets = [0, 640], sizes = [512, 128], strides = [1, 1]} : vector<512x1152xf32> to vector<512x128xf32>
    %add3A_38 = arith.addf %add3A_36, %slice3A_37 : vector<512x128xf32>
    %sub3A_39 = arith.subf %get3A_14, %add3A_38 : vector<512x128xf32>
    %swap3A_40 = arith.constant 0 : index
    %swap3A_41 = arith.constant 0 : index
    %swap3A_42 = arith.constant 0 : index
    %swap3A_43 = arith.constant 128 : index
    %swap3A_44 = vector.load %arg5[%swap3A_40, %swap3A_41, %swap3A_42, %swap3A_43] : memref<1x1x512x384xf32, #tpu.memory_space<vmem>>, vector<1x1x512x128xf32>
    %swap3A_45 = vector.shape_cast %swap3A_44 : vector<1x1x512x128xf32> to vector<512x128xf32>
    %swap3A_46 = vector.shape_cast %sub3A_39 : vector<512x128xf32> to vector<1x1x512x128xf32>
    tpu.vector_store %arg5[%swap3A_40, %swap3A_41, %swap3A_42, %swap3A_43], %swap3A_46 {strides = array<i32>} : memref<1x1x512x384xf32, #tpu.memory_space<vmem>>, vector<1x1x512x128xf32>,
    %reduce_sum3A_47 = arith.constant dense<0.000000e+00> : vector<128xf32>
    %reduce_sum3A_48 = vector.multi_reduction <add>, %sub3A_39, %reduce_sum3A_47 [0] : vector<512x128xf32> to vector<128xf32>
    %broadcast_in_dim3A_49 = vector.shape_cast %reduce_sum3A_48 : vector<128xf32> to vector<1x128xf32>
    %add3A_50 = arith.addf %add3A_29, %broadcast_in_dim3A_49 : vector<1x128xf32>
    %mul3A_51 = arith.mulf %sub3A_39, %sub3A_39 : vector<512x128xf32>
    %reduce_sum3A_52 = arith.constant dense<0.000000e+00> : vector<128xf32>
    %reduce_sum3A_53 = vector.multi_reduction <add>, %mul3A_51, %reduce_sum3A_52 [0] : vector<512x128xf32> to vector<128xf32>
    %broadcast_in_dim3A_54 = vector.shape_cast %reduce_sum3A_53 : vector<128xf32> to vector<1x128xf32>
    %add3A_55 = arith.addf %add3A_33, %broadcast_in_dim3A_54 : vector<1x128xf32>
    %slice3A_56 = vector.extract_strided_slice %get3A_8 {offsets = [0, 768], sizes = [512, 128], strides = [1, 1]} : vector<512x1152xf32> to vector<512x128xf32>
    %slice3A_57 = vector.extract_strided_slice %get3A_8 {offsets = [0, 896], sizes = [512, 128], strides = [1, 1]} : vector<512x1152xf32> to vector<512x128xf32>
    %add3A_58 = arith.addf %slice3A_56, %slice3A_57 : vector<512x128xf32>
    %slice3A_59 = vector.extract_strided_slice %get3A_8 {offsets = [0, 1024], sizes = [512, 128], strides = [1, 1]} : vector<512x1152xf32> to vector<512x128xf32>
    %add3A_60 = arith.addf %add3A_58, %slice3A_59 : vector<512x128xf32>
    %sub3A_61 = arith.subf %get3A_14, %add3A_60 : vector<512x128xf32>
    %swap3A_62 = arith.constant 0 : index
    %swap3A_63 = arith.constant 0 : index
    %swap3A_64 = arith.constant 0 : index
    %swap3A_65 = arith.constant 256 : index
    %swap3A_66 = vector.load %arg5[%swap3A_62, %swap3A_63, %swap3A_64, %swap3A_65] : memref<1x1x512x384xf32, #tpu.memory_space<vmem>>, vector<1x1x512x128xf32>
    %swap3A_67 = vector.shape_cast %swap3A_66 : vector<1x1x512x128xf32> to vector<512x128xf32>
    %swap3A_68 = vector.shape_cast %sub3A_61 : vector<512x128xf32> to vector<1x1x512x128xf32>
    tpu.vector_store %arg5[%swap3A_62, %swap3A_63, %swap3A_64, %swap3A_65], %swap3A_68 {strides = array<i32>} : memref<1x1x512x384xf32, #tpu.memory_space<vmem>>, vector<1x1x512x128xf32>,
    %reduce_sum3A_69 = arith.constant dense<0.000000e+00> : vector<128xf32>
    %reduce_sum3A_70 = vector.multi_reduction <add>, %sub3A_61, %reduce_sum3A_69 [0] : vector<512x128xf32> to vector<128xf32>
    %broadcast_in_dim3A_71 = vector.shape_cast %reduce_sum3A_70 : vector<128xf32> to vector<1x128xf32>
    %add3A_72 = arith.addf %add3A_50, %broadcast_in_dim3A_71 : vector<1x128xf32>
    %mul3A_73 = arith.mulf %sub3A_61, %sub3A_61 : vector<512x128xf32>
    %reduce_sum3A_74 = arith.constant dense<0.000000e+00> : vector<128xf32>
    %reduce_sum3A_75 = vector.multi_reduction <add>, %mul3A_73, %reduce_sum3A_74 [0] : vector<512x128xf32> to vector<128xf32>
    %broadcast_in_dim3A_76 = vector.shape_cast %reduce_sum3A_75 : vector<128xf32> to vector<1x128xf32>
    %add3A_77 = arith.addf %add3A_55, %broadcast_in_dim3A_76 : vector<1x128xf32>
    %get3A_78 = arith.constant 0 : index
    %get3A_79 = arith.constant 0 : index
    %get3A_80 = arith.constant 0 : index
    %get3A_81 = vector.load %arg6[%get3A_78, %get3A_79, %get3A_80] : memref<1x8x128xf32, #tpu.memory_space<vmem>>, vector<1x1x128xf32>
    %get3A_82 = vector.shape_cast %get3A_81 : vector<1x1x128xf32> to vector<1x128xf32>
    %add3A_83 = arith.addf %get3A_82, %add3A_72 : vector<1x128xf32>
    %swap3A_84 = arith.constant 0 : index
    %swap3A_85 = arith.constant 0 : index
    %swap3A_86 = arith.constant 0 : index
    %swap3A_87 = vector.load %arg6[%swap3A_84, %swap3A_85, %swap3A_86] : memref<1x8x128xf32, #tpu.memory_space<vmem>>, vector<1x1x128xf32>
    %swap3A_88 = vector.shape_cast %swap3A_87 : vector<1x1x128xf32> to vector<1x128xf32>
    %swap3A_89 = vector.shape_cast %add3A_83 : vector<1x128xf32> to vector<1x1x128xf32>
    tpu.vector_store %arg6[%swap3A_84, %swap3A_85, %swap3A_86], %swap3A_89 {strides = array<i32>} : memref<1x8x128xf32, #tpu.memory_space<vmem>>, vector<1x1x128xf32>,
    %get3A_90 = arith.constant 0 : index
    %get3A_91 = arith.constant 1 : index
    %get3A_92 = arith.constant 0 : index
    %get3A_93 = vector.load %arg6[%get3A_90, %get3A_91, %get3A_92] : memref<1x8x128xf32, #tpu.memory_space<vmem>>, vector<1x1x128xf32>
    %get3A_94 = vector.shape_cast %get3A_93 : vector<1x1x128xf32> to vector<1x128xf32>
    %add3A_95 = arith.addf %get3A_94, %add3A_77 : vector<1x128xf32>
    %swap3A_96 = arith.constant 0 : index
    %swap3A_97 = arith.constant 1 : index
    %swap3A_98 = arith.constant 0 : index
    %swap3A_99 = vector.load %arg6[%swap3A_96, %swap3A_97, %swap3A_98] : memref<1x8x128xf32, #tpu.memory_space<vmem>>, vector<1x1x128xf32>
    %swap3A_100 = vector.shape_cast %swap3A_99 : vector<1x1x128xf32> to vector<1x128xf32>
    %swap3A_101 = vector.shape_cast %add3A_95 : vector<1x128xf32> to vector<1x1x128xf32>
    tpu.vector_store %arg6[%swap3A_96, %swap3A_97, %swap3A_98], %swap3A_101 {strides = array<i32>} : memref<1x8x128xf32, #tpu.memory_space<vmem>>, vector<1x1x128xf32>,
    return
  }
  func.func @transform_0(%arg0: i32, %arg1: i32, %arg2: i32) -> (i32, i32, i32, i32) {
    %c0_i32 = arith.constant 0 : i32
    %c0_i32_0 = arith.constant 0 : i32
    return %arg0, %arg1, %arg2, %c0_i32 : i32, i32, i32, i32
  }
  func.func @transform_1(%arg0: i32, %arg1: i32, %arg2: i32) -> (i32, i32, i32, i32) {
    %mul3A = arith.constant 4 : i32
    %mul3A_0 = arith.muli %mul3A, %arg0 : i32
    %c0_i32 = arith.constant 0 : i32
    %c0_i32_1 = arith.constant 0 : i32
    return %arg1, %mul3A_0, %arg2, %c0_i32 : i32, i32, i32, i32
  }
  func.func @transform_2(%arg0: i32, %arg1: i32, %arg2: i32) -> (i32, i32, i32, i32) {
    %c0_i32 = arith.constant 0 : i32
    %c0_i32_0 = arith.constant 0 : i32
    return %arg0, %arg1, %arg2, %c0_i32 : i32, i32, i32, i32
  }
  func.func @transform_3(%arg0: i32, %arg1: i32, %arg2: i32) -> (i32, i32, i32) {
    %c0_i32 = arith.constant 0 : i32
    %c0_i32_0 = arith.constant 0 : i32
    %c0_i32_1 = arith.constant 0 : i32
    return %arg0, %c0_i32, %c0_i32_0 : i32, i32, i32
  }
}

module attributes {stable_mosaic.version = 14 : i64} {
  func.func @_conv2_body(%arg0: i32, %arg1: i32, %arg2: i32, %arg3: memref<1x1x512x384xf32, #tpu.memory_space<vmem>>, %arg4: memref<1x8x128xf32, #tpu.memory_space<vmem>>, %arg5: memref<1x8x128xf32, #tpu.memory_space<vmem>>, %arg6: memref<1x3x128x128xf32, #tpu.memory_space<vmem>>, %arg7: memref<1x1x512x128xf32, #tpu.memory_space<vmem>>, %arg8: memref<1x8x128xf32, #tpu.memory_space<vmem>>) attributes {dimension_semantics = [#tpu.dimension_semantics<arbitrary>, #tpu.dimension_semantics<arbitrary>, #tpu.dimension_semantics<arbitrary>], iteration_bounds = array<i64: 2, 8, 4>, scalar_prefetch = 0 : i64, scratch_operands = 0 : i64, tpu.core_type = #tpu.core_type<tc>, window_params = [{transform_indices = @transform_0, window_bounds = array<i64: 1, 1, 512, 384>}, {transform_indices = @transform_1, window_bounds = array<i64: 1, 8, 128>}, {transform_indices = @transform_2, window_bounds = array<i64: 1, 8, 128>}, {transform_indices = @transform_3, window_bounds = array<i64: 1, 3, 128, 128>}, {transform_indices = @transform_4, window_bounds = array<i64: 1, 1, 512, 128>}, {transform_indices = @transform_5, window_bounds = array<i64: 1, 8, 128>}]} {
    %eq3A = arith.constant 0 : i32
    %eq3A_0 = arith.cmpi eq, %arg1, %eq3A : i32
    %eq3A_1 = arith.constant 0 : i32
    %eq3A_2 = arith.cmpi eq, %arg2, %eq3A_1 : i32
    %and3A = arith.andi %eq3A_0, %eq3A_2 : i1
    %convert_element_type3A = arith.extui %and3A : i1 to i32
    %cond3A = arith.constant 0 : i32
    %cond3A_3 = arith.cmpi ne, %convert_element_type3A, %cond3A : i32
    scf.if %cond3A_3 {
      %broadcast_in_dim3A_125 = arith.constant 0.000000e+00 : f32
      %broadcast_in_dim3A_126 = vector.broadcast %broadcast_in_dim3A_125 : f32 to vector<8x128xf32>
      %swap3A_127 = arith.constant 0 : index
      %swap3A_128 = arith.constant 0 : index
      %swap3A_129 = arith.constant 0 : index
      %swap3A_130 = vector.load %arg8[%swap3A_127, %swap3A_128, %swap3A_129] : memref<1x8x128xf32, #tpu.memory_space<vmem>>, vector<1x8x128xf32>
      %swap3A_131 = vector.shape_cast %swap3A_130 : vector<1x8x128xf32> to vector<8x128xf32>
      %swap3A_132 = vector.shape_cast %broadcast_in_dim3A_126 : vector<8x128xf32> to vector<1x8x128xf32>
      tpu.vector_store %arg8[%swap3A_127, %swap3A_128, %swap3A_129], %swap3A_132 {strides = array<i32>} : memref<1x8x128xf32, #tpu.memory_space<vmem>>, vector<1x8x128xf32>,
    } else {
    }
    %get3A = arith.constant 0 : index
    %get3A_4 = arith.constant 0 : index
    %get3A_5 = arith.constant 0 : index
    %get3A_6 = vector.load %arg4[%get3A, %get3A_4, %get3A_5] : memref<1x8x128xf32, #tpu.memory_space<vmem>>, vector<1x1x128xf32>
    %get3A_7 = vector.shape_cast %get3A_6 : vector<1x1x128xf32> to vector<1x128xf32>
    %mul3A = arith.constant 2.03450527E-5 : f32
    %mul3A_8 = vector.broadcast %mul3A : f32 to vector<1x128xf32>
    %mul3A_9 = arith.mulf %get3A_7, %mul3A_8 : vector<1x128xf32>
    %get3A_10 = arith.constant 0 : index
    %get3A_11 = arith.constant 1 : index
    %get3A_12 = arith.constant 0 : index
    %get3A_13 = vector.load %arg4[%get3A_10, %get3A_11, %get3A_12] : memref<1x8x128xf32, #tpu.memory_space<vmem>>, vector<1x1x128xf32>
    %get3A_14 = vector.shape_cast %get3A_13 : vector<1x1x128xf32> to vector<1x128xf32>
    %mul3A_15 = arith.constant 2.03450527E-5 : f32
    %mul3A_16 = vector.broadcast %mul3A_15 : f32 to vector<1x128xf32>
    %mul3A_17 = arith.mulf %get3A_14, %mul3A_16 : vector<1x128xf32>
    %mul3A_18 = arith.mulf %mul3A_9, %mul3A_9 : vector<1x128xf32>
    %sub3A = arith.subf %mul3A_17, %mul3A_18 : vector<1x128xf32>
    %add3A = arith.constant 9.99999974E-6 : f32
    %add3A_19 = vector.broadcast %add3A : f32 to vector<1x128xf32>
    %add3A_20 = arith.addf %sub3A, %add3A_19 : vector<1x128xf32>
    %rsqrt3A = math.rsqrt %add3A_20 : vector<1x128xf32>
    %get3A_21 = arith.constant 0 : index
    %get3A_22 = arith.constant 0 : index
    %get3A_23 = arith.constant 0 : index
    %get3A_24 = vector.load %arg5[%get3A_21, %get3A_22, %get3A_23] : memref<1x8x128xf32, #tpu.memory_space<vmem>>, vector<1x1x128xf32>
    %get3A_25 = vector.shape_cast %get3A_24 : vector<1x1x128xf32> to vector<1x128xf32>
    %mul3A_26 = arith.mulf %get3A_25, %rsqrt3A : vector<1x128xf32>
    %get3A_27 = arith.constant 0 : index
    %get3A_28 = arith.constant 1 : index
    %get3A_29 = arith.constant 0 : index
    %get3A_30 = vector.load %arg5[%get3A_27, %get3A_28, %get3A_29] : memref<1x8x128xf32, #tpu.memory_space<vmem>>, vector<1x1x128xf32>
    %get3A_31 = vector.shape_cast %get3A_30 : vector<1x1x128xf32> to vector<1x128xf32>
    %mul3A_32 = arith.mulf %mul3A_9, %mul3A_26 : vector<1x128xf32>
    %sub3A_33 = arith.subf %get3A_31, %mul3A_32 : vector<1x128xf32>
    %get3A_34 = arith.constant 0 : index
    %get3A_35 = arith.constant 0 : index
    %get3A_36 = arith.constant 0 : index
    %get3A_37 = arith.constant 0 : index
    %get3A_38 = vector.load %arg3[%get3A_34, %get3A_35, %get3A_36, %get3A_37] : memref<1x1x512x384xf32, #tpu.memory_space<vmem>>, vector<1x1x512x384xf32>
    %get3A_39 = vector.shape_cast %get3A_38 : vector<1x1x512x384xf32> to vector<512x384xf32>
    %broadcast_in_dim3A = arith.constant 0.000000e+00 : f32
    %broadcast_in_dim3A_40 = vector.broadcast %broadcast_in_dim3A : f32 to vector<512x128xf32>
    %slice3A = vector.extract_strided_slice %get3A_39 {offsets = [0, 0], sizes = [512, 128], strides = [1, 1]} : vector<512x384xf32> to vector<512x128xf32>
    %mul3A_41 = vector.broadcast %mul3A_26 : vector<1x128xf32> to vector<512x128xf32>
    %mul3A_42 = arith.mulf %slice3A, %mul3A_41 : vector<512x128xf32>
    %add3A_43 = vector.broadcast %sub3A_33 : vector<1x128xf32> to vector<512x128xf32>
    %add3A_44 = arith.addf %mul3A_42, %add3A_43 : vector<512x128xf32>
    %max3A = arith.constant 0.000000e+00 : f32
    %max3A_45 = vector.broadcast %max3A : f32 to vector<512x128xf32>
    %max3A_46 = arith.maximumf %add3A_44, %max3A_45 : vector<512x128xf32>
    %get3A_47 = arith.constant 0 : index
    %get3A_48 = arith.constant 0 : index
    %get3A_49 = arith.constant 0 : index
    %get3A_50 = arith.constant 0 : index
    %get3A_51 = vector.load %arg6[%get3A_47, %get3A_48, %get3A_49, %get3A_50] : memref<1x3x128x128xf32, #tpu.memory_space<vmem>>, vector<1x1x128x128xf32>
    %get3A_52 = vector.shape_cast %get3A_51 : vector<1x1x128x128xf32> to vector<128x128xf32>
    %dot_general3A = arith.constant dense<0.000000e+00> : vector<512x128xf32>
    %dot_general3A_53 = tpu.matmul %max3A_46, %get3A_52, %dot_general3A {dimension_numbers = #tpu.dot_dimension_numbers<[1], [0], [0], [1], [0, 0, 1, 1], [], []>, transpose_lhs_hint = false} : vector<512x128xf32>, vector<128x128xf32>, vector<512x128xf32> -> vector<512x128xf32>
    %add3A_54 = arith.addf %broadcast_in_dim3A_40, %dot_general3A_53 : vector<512x128xf32>
    %slice3A_55 = vector.extract_strided_slice %get3A_39 {offsets = [0, 128], sizes = [512, 128], strides = [1, 1]} : vector<512x384xf32> to vector<512x128xf32>
    %mul3A_56 = vector.broadcast %mul3A_26 : vector<1x128xf32> to vector<512x128xf32>
    %mul3A_57 = arith.mulf %slice3A_55, %mul3A_56 : vector<512x128xf32>
    %add3A_58 = vector.broadcast %sub3A_33 : vector<1x128xf32> to vector<512x128xf32>
    %add3A_59 = arith.addf %mul3A_57, %add3A_58 : vector<512x128xf32>
    %max3A_60 = arith.constant 0.000000e+00 : f32
    %max3A_61 = vector.broadcast %max3A_60 : f32 to vector<512x128xf32>
    %max3A_62 = arith.maximumf %add3A_59, %max3A_61 : vector<512x128xf32>
    %get3A_63 = arith.constant 0 : index
    %get3A_64 = arith.constant 1 : index
    %get3A_65 = arith.constant 0 : index
    %get3A_66 = arith.constant 0 : index
    %get3A_67 = vector.load %arg6[%get3A_63, %get3A_64, %get3A_65, %get3A_66] : memref<1x3x128x128xf32, #tpu.memory_space<vmem>>, vector<1x1x128x128xf32>
    %get3A_68 = vector.shape_cast %get3A_67 : vector<1x1x128x128xf32> to vector<128x128xf32>
    %dot_general3A_69 = arith.constant dense<0.000000e+00> : vector<512x128xf32>
    %dot_general3A_70 = tpu.matmul %max3A_62, %get3A_68, %dot_general3A_69 {dimension_numbers = #tpu.dot_dimension_numbers<[1], [0], [0], [1], [0, 0, 1, 1], [], []>, transpose_lhs_hint = false} : vector<512x128xf32>, vector<128x128xf32>, vector<512x128xf32> -> vector<512x128xf32>
    %add3A_71 = arith.addf %add3A_54, %dot_general3A_70 : vector<512x128xf32>
    %slice3A_72 = vector.extract_strided_slice %get3A_39 {offsets = [0, 256], sizes = [512, 128], strides = [1, 1]} : vector<512x384xf32> to vector<512x128xf32>
    %mul3A_73 = vector.broadcast %mul3A_26 : vector<1x128xf32> to vector<512x128xf32>
    %mul3A_74 = arith.mulf %slice3A_72, %mul3A_73 : vector<512x128xf32>
    %add3A_75 = vector.broadcast %sub3A_33 : vector<1x128xf32> to vector<512x128xf32>
    %add3A_76 = arith.addf %mul3A_74, %add3A_75 : vector<512x128xf32>
    %max3A_77 = arith.constant 0.000000e+00 : f32
    %max3A_78 = vector.broadcast %max3A_77 : f32 to vector<512x128xf32>
    %max3A_79 = arith.maximumf %add3A_76, %max3A_78 : vector<512x128xf32>
    %get3A_80 = arith.constant 0 : index
    %get3A_81 = arith.constant 2 : index
    %get3A_82 = arith.constant 0 : index
    %get3A_83 = arith.constant 0 : index
    %get3A_84 = vector.load %arg6[%get3A_80, %get3A_81, %get3A_82, %get3A_83] : memref<1x3x128x128xf32, #tpu.memory_space<vmem>>, vector<1x1x128x128xf32>
    %get3A_85 = vector.shape_cast %get3A_84 : vector<1x1x128x128xf32> to vector<128x128xf32>
    %dot_general3A_86 = arith.constant dense<0.000000e+00> : vector<512x128xf32>
    %dot_general3A_87 = tpu.matmul %max3A_79, %get3A_85, %dot_general3A_86 {dimension_numbers = #tpu.dot_dimension_numbers<[1], [0], [0], [1], [0, 0, 1, 1], [], []>, transpose_lhs_hint = false} : vector<512x128xf32>, vector<128x128xf32>, vector<512x128xf32> -> vector<512x128xf32>
    %add3A_88 = arith.addf %add3A_71, %dot_general3A_87 : vector<512x128xf32>
    %swap3A = arith.constant 0 : index
    %swap3A_89 = arith.constant 0 : index
    %swap3A_90 = arith.constant 0 : index
    %swap3A_91 = arith.constant 0 : index
    %swap3A_92 = vector.load %arg7[%swap3A, %swap3A_89, %swap3A_90, %swap3A_91] : memref<1x1x512x128xf32, #tpu.memory_space<vmem>>, vector<1x1x512x128xf32>
    %swap3A_93 = vector.shape_cast %swap3A_92 : vector<1x1x512x128xf32> to vector<512x128xf32>
    %swap3A_94 = vector.shape_cast %add3A_88 : vector<512x128xf32> to vector<1x1x512x128xf32>
    tpu.vector_store %arg7[%swap3A, %swap3A_89, %swap3A_90, %swap3A_91], %swap3A_94 {strides = array<i32>} : memref<1x1x512x128xf32, #tpu.memory_space<vmem>>, vector<1x1x512x128xf32>,
    %get3A_95 = arith.constant 0 : index
    %get3A_96 = arith.constant 0 : index
    %get3A_97 = arith.constant 0 : index
    %get3A_98 = vector.load %arg8[%get3A_95, %get3A_96, %get3A_97] : memref<1x8x128xf32, #tpu.memory_space<vmem>>, vector<1x1x128xf32>
    %get3A_99 = vector.shape_cast %get3A_98 : vector<1x1x128xf32> to vector<1x128xf32>
    %reduce_sum3A = arith.constant dense<0.000000e+00> : vector<128xf32>
    %reduce_sum3A_100 = vector.multi_reduction <add>, %add3A_88, %reduce_sum3A [0] : vector<512x128xf32> to vector<128xf32>
    %broadcast_in_dim3A_101 = vector.shape_cast %reduce_sum3A_100 : vector<128xf32> to vector<1x128xf32>
    %add3A_102 = arith.addf %get3A_99, %broadcast_in_dim3A_101 : vector<1x128xf32>
    %swap3A_103 = arith.constant 0 : index
    %swap3A_104 = arith.constant 0 : index
    %swap3A_105 = arith.constant 0 : index
    %swap3A_106 = vector.load %arg8[%swap3A_103, %swap3A_104, %swap3A_105] : memref<1x8x128xf32, #tpu.memory_space<vmem>>, vector<1x1x128xf32>
    %swap3A_107 = vector.shape_cast %swap3A_106 : vector<1x1x128xf32> to vector<1x128xf32>
    %swap3A_108 = vector.shape_cast %add3A_102 : vector<1x128xf32> to vector<1x1x128xf32>
    tpu.vector_store %arg8[%swap3A_103, %swap3A_104, %swap3A_105], %swap3A_108 {strides = array<i32>} : memref<1x8x128xf32, #tpu.memory_space<vmem>>, vector<1x1x128xf32>,
    %get3A_109 = arith.constant 0 : index
    %get3A_110 = arith.constant 1 : index
    %get3A_111 = arith.constant 0 : index
    %get3A_112 = vector.load %arg8[%get3A_109, %get3A_110, %get3A_111] : memref<1x8x128xf32, #tpu.memory_space<vmem>>, vector<1x1x128xf32>
    %get3A_113 = vector.shape_cast %get3A_112 : vector<1x1x128xf32> to vector<1x128xf32>
    %mul3A_114 = arith.mulf %add3A_88, %add3A_88 : vector<512x128xf32>
    %reduce_sum3A_115 = arith.constant dense<0.000000e+00> : vector<128xf32>
    %reduce_sum3A_116 = vector.multi_reduction <add>, %mul3A_114, %reduce_sum3A_115 [0] : vector<512x128xf32> to vector<128xf32>
    %broadcast_in_dim3A_117 = vector.shape_cast %reduce_sum3A_116 : vector<128xf32> to vector<1x128xf32>
    %add3A_118 = arith.addf %get3A_113, %broadcast_in_dim3A_117 : vector<1x128xf32>
    %swap3A_119 = arith.constant 0 : index
    %swap3A_120 = arith.constant 1 : index
    %swap3A_121 = arith.constant 0 : index
    %swap3A_122 = vector.load %arg8[%swap3A_119, %swap3A_120, %swap3A_121] : memref<1x8x128xf32, #tpu.memory_space<vmem>>, vector<1x1x128xf32>
    %swap3A_123 = vector.shape_cast %swap3A_122 : vector<1x1x128xf32> to vector<1x128xf32>
    %swap3A_124 = vector.shape_cast %add3A_118 : vector<1x128xf32> to vector<1x1x128xf32>
    tpu.vector_store %arg8[%swap3A_119, %swap3A_120, %swap3A_121], %swap3A_124 {strides = array<i32>} : memref<1x8x128xf32, #tpu.memory_space<vmem>>, vector<1x1x128xf32>,
    return
  }
  func.func @transform_0(%arg0: i32, %arg1: i32, %arg2: i32) -> (i32, i32, i32, i32) {
    %c0_i32 = arith.constant 0 : i32
    %c0_i32_0 = arith.constant 0 : i32
    return %arg0, %arg1, %arg2, %c0_i32 : i32, i32, i32, i32
  }
  func.func @transform_1(%arg0: i32, %arg1: i32, %arg2: i32) -> (i32, i32, i32) {
    %c0_i32 = arith.constant 0 : i32
    %c0_i32_0 = arith.constant 0 : i32
    %c0_i32_1 = arith.constant 0 : i32
    return %arg0, %c0_i32, %c0_i32_0 : i32, i32, i32
  }
  func.func @transform_2(%arg0: i32, %arg1: i32, %arg2: i32) -> (i32, i32, i32) {
    %c0_i32 = arith.constant 0 : i32
    %c0_i32_0 = arith.constant 0 : i32
    %c0_i32_1 = arith.constant 0 : i32
    return %arg0, %c0_i32, %c0_i32_0 : i32, i32, i32
  }
  func.func @transform_3(%arg0: i32, %arg1: i32, %arg2: i32) -> (i32, i32, i32, i32) {
    %c0_i32 = arith.constant 0 : i32
    %c0_i32_0 = arith.constant 0 : i32
    %c0_i32_1 = arith.constant 0 : i32
    %c0_i32_2 = arith.constant 0 : i32
    return %arg0, %c0_i32, %c0_i32_0, %c0_i32_1 : i32, i32, i32, i32
  }
  func.func @transform_4(%arg0: i32, %arg1: i32, %arg2: i32) -> (i32, i32, i32, i32) {
    %c0_i32 = arith.constant 0 : i32
    %c0_i32_0 = arith.constant 0 : i32
    return %arg0, %arg1, %arg2, %c0_i32 : i32, i32, i32, i32
  }
  func.func @transform_5(%arg0: i32, %arg1: i32, %arg2: i32) -> (i32, i32, i32) {
    %c0_i32 = arith.constant 0 : i32
    %c0_i32_0 = arith.constant 0 : i32
    %c0_i32_1 = arith.constant 0 : i32
    return %arg0, %c0_i32, %c0_i32_0 : i32, i32, i32
  }
}

module attributes {stable_mosaic.version = 14 : i64} {
  func.func @_final_body(%arg0: i32, %arg1: i32, %arg2: memref<1x512x128xf32, #tpu.memory_space<vmem>>, %arg3: memref<1x512x128xf32, #tpu.memory_space<vmem>>, %arg4: memref<2x8x128xf32, #tpu.memory_space<vmem>>, %arg5: memref<2x8x128xf32, #tpu.memory_space<vmem>>, %arg6: memref<1x512x128xf32, #tpu.memory_space<vmem>>) attributes {dimension_semantics = [#tpu.dimension_semantics<arbitrary>, #tpu.dimension_semantics<arbitrary>], iteration_bounds = array<i64: 8, 4>, scalar_prefetch = 0 : i64, scratch_operands = 0 : i64, tpu.core_type = #tpu.core_type<tc>, window_params = [{transform_indices = @transform_0, window_bounds = array<i64: 1, 512, 128>}, {transform_indices = @transform_1, window_bounds = array<i64: 1, 512, 128>}, {pipeline_mode = #tpu.pipeline_mode<synchronous>, transform_indices = @transform_2, window_bounds = array<i64: 2, 8, 128>}, {pipeline_mode = #tpu.pipeline_mode<synchronous>, transform_indices = @transform_3, window_bounds = array<i64: 2, 8, 128>}, {transform_indices = @transform_4, window_bounds = array<i64: 1, 512, 128>}]} {
    %get3A = arith.constant 0 : index
    %get3A_0 = arith.constant 0 : index
    %get3A_1 = arith.constant 0 : index
    %get3A_2 = vector.load %arg4[%get3A, %get3A_0, %get3A_1] : memref<2x8x128xf32, #tpu.memory_space<vmem>>, vector<1x1x128xf32>
    %get3A_3 = vector.shape_cast %get3A_2 : vector<1x1x128xf32> to vector<1x128xf32>
    %mul3A = arith.constant 6.10351563E-5 : f32
    %mul3A_4 = vector.broadcast %mul3A : f32 to vector<1x128xf32>
    %mul3A_5 = arith.mulf %get3A_3, %mul3A_4 : vector<1x128xf32>
    %get3A_6 = arith.constant 0 : index
    %get3A_7 = arith.constant 1 : index
    %get3A_8 = arith.constant 0 : index
    %get3A_9 = vector.load %arg4[%get3A_6, %get3A_7, %get3A_8] : memref<2x8x128xf32, #tpu.memory_space<vmem>>, vector<1x1x128xf32>
    %get3A_10 = vector.shape_cast %get3A_9 : vector<1x1x128xf32> to vector<1x128xf32>
    %mul3A_11 = arith.constant 6.10351563E-5 : f32
    %mul3A_12 = vector.broadcast %mul3A_11 : f32 to vector<1x128xf32>
    %mul3A_13 = arith.mulf %get3A_10, %mul3A_12 : vector<1x128xf32>
    %mul3A_14 = arith.mulf %mul3A_5, %mul3A_5 : vector<1x128xf32>
    %sub3A = arith.subf %mul3A_13, %mul3A_14 : vector<1x128xf32>
    %add3A = arith.constant 9.99999974E-6 : f32
    %add3A_15 = vector.broadcast %add3A : f32 to vector<1x128xf32>
    %add3A_16 = arith.addf %sub3A, %add3A_15 : vector<1x128xf32>
    %rsqrt3A = math.rsqrt %add3A_16 : vector<1x128xf32>
    %get3A_17 = arith.constant 0 : index
    %get3A_18 = arith.constant 0 : index
    %get3A_19 = arith.constant 0 : index
    %get3A_20 = vector.load %arg5[%get3A_17, %get3A_18, %get3A_19] : memref<2x8x128xf32, #tpu.memory_space<vmem>>, vector<1x1x128xf32>
    %get3A_21 = vector.shape_cast %get3A_20 : vector<1x1x128xf32> to vector<1x128xf32>
    %mul3A_22 = arith.mulf %get3A_21, %rsqrt3A : vector<1x128xf32>
    %get3A_23 = arith.constant 0 : index
    %get3A_24 = arith.constant 1 : index
    %get3A_25 = arith.constant 0 : index
    %get3A_26 = vector.load %arg5[%get3A_23, %get3A_24, %get3A_25] : memref<2x8x128xf32, #tpu.memory_space<vmem>>, vector<1x1x128xf32>
    %get3A_27 = vector.shape_cast %get3A_26 : vector<1x1x128xf32> to vector<1x128xf32>
    %mul3A_28 = arith.mulf %mul3A_5, %mul3A_22 : vector<1x128xf32>
    %sub3A_29 = arith.subf %get3A_27, %mul3A_28 : vector<1x128xf32>
    %get3A_30 = arith.constant 0 : index
    %get3A_31 = arith.constant 0 : index
    %get3A_32 = arith.constant 0 : index
    %get3A_33 = vector.load %arg2[%get3A_30, %get3A_31, %get3A_32] : memref<1x512x128xf32, #tpu.memory_space<vmem>>, vector<1x512x128xf32>
    %get3A_34 = vector.shape_cast %get3A_33 : vector<1x512x128xf32> to vector<512x128xf32>
    %mul3A_35 = vector.broadcast %mul3A_22 : vector<1x128xf32> to vector<512x128xf32>
    %mul3A_36 = arith.mulf %get3A_34, %mul3A_35 : vector<512x128xf32>
    %add3A_37 = vector.broadcast %sub3A_29 : vector<1x128xf32> to vector<512x128xf32>
    %add3A_38 = arith.addf %mul3A_36, %add3A_37 : vector<512x128xf32>
    %max3A = arith.constant 0.000000e+00 : f32
    %max3A_39 = vector.broadcast %max3A : f32 to vector<512x128xf32>
    %max3A_40 = arith.maximumf %add3A_38, %max3A_39 : vector<512x128xf32>
    %get3A_41 = arith.constant 1 : index
    %get3A_42 = arith.constant 0 : index
    %get3A_43 = arith.constant 0 : index
    %get3A_44 = vector.load %arg4[%get3A_41, %get3A_42, %get3A_43] : memref<2x8x128xf32, #tpu.memory_space<vmem>>, vector<1x1x128xf32>
    %get3A_45 = vector.shape_cast %get3A_44 : vector<1x1x128xf32> to vector<1x128xf32>
    %mul3A_46 = arith.constant 6.10351563E-5 : f32
    %mul3A_47 = vector.broadcast %mul3A_46 : f32 to vector<1x128xf32>
    %mul3A_48 = arith.mulf %get3A_45, %mul3A_47 : vector<1x128xf32>
    %get3A_49 = arith.constant 1 : index
    %get3A_50 = arith.constant 1 : index
    %get3A_51 = arith.constant 0 : index
    %get3A_52 = vector.load %arg4[%get3A_49, %get3A_50, %get3A_51] : memref<2x8x128xf32, #tpu.memory_space<vmem>>, vector<1x1x128xf32>
    %get3A_53 = vector.shape_cast %get3A_52 : vector<1x1x128xf32> to vector<1x128xf32>
    %mul3A_54 = arith.constant 6.10351563E-5 : f32
    %mul3A_55 = vector.broadcast %mul3A_54 : f32 to vector<1x128xf32>
    %mul3A_56 = arith.mulf %get3A_53, %mul3A_55 : vector<1x128xf32>
    %mul3A_57 = arith.mulf %mul3A_48, %mul3A_48 : vector<1x128xf32>
    %sub3A_58 = arith.subf %mul3A_56, %mul3A_57 : vector<1x128xf32>
    %add3A_59 = arith.constant 9.99999974E-6 : f32
    %add3A_60 = vector.broadcast %add3A_59 : f32 to vector<1x128xf32>
    %add3A_61 = arith.addf %sub3A_58, %add3A_60 : vector<1x128xf32>
    %rsqrt3A_62 = math.rsqrt %add3A_61 : vector<1x128xf32>
    %get3A_63 = arith.constant 1 : index
    %get3A_64 = arith.constant 0 : index
    %get3A_65 = arith.constant 0 : index
    %get3A_66 = vector.load %arg5[%get3A_63, %get3A_64, %get3A_65] : memref<2x8x128xf32, #tpu.memory_space<vmem>>, vector<1x1x128xf32>
    %get3A_67 = vector.shape_cast %get3A_66 : vector<1x1x128xf32> to vector<1x128xf32>
    %mul3A_68 = arith.mulf %get3A_67, %rsqrt3A_62 : vector<1x128xf32>
    %get3A_69 = arith.constant 1 : index
    %get3A_70 = arith.constant 1 : index
    %get3A_71 = arith.constant 0 : index
    %get3A_72 = vector.load %arg5[%get3A_69, %get3A_70, %get3A_71] : memref<2x8x128xf32, #tpu.memory_space<vmem>>, vector<1x1x128xf32>
    %get3A_73 = vector.shape_cast %get3A_72 : vector<1x1x128xf32> to vector<1x128xf32>
    %mul3A_74 = arith.mulf %mul3A_48, %mul3A_68 : vector<1x128xf32>
    %sub3A_75 = arith.subf %get3A_73, %mul3A_74 : vector<1x128xf32>
    %get3A_76 = arith.constant 0 : index
    %get3A_77 = arith.constant 0 : index
    %get3A_78 = arith.constant 0 : index
    %get3A_79 = vector.load %arg3[%get3A_76, %get3A_77, %get3A_78] : memref<1x512x128xf32, #tpu.memory_space<vmem>>, vector<1x512x128xf32>
    %get3A_80 = vector.shape_cast %get3A_79 : vector<1x512x128xf32> to vector<512x128xf32>
    %mul3A_81 = vector.broadcast %mul3A_68 : vector<1x128xf32> to vector<512x128xf32>
    %mul3A_82 = arith.mulf %get3A_80, %mul3A_81 : vector<512x128xf32>
    %add3A_83 = vector.broadcast %sub3A_75 : vector<1x128xf32> to vector<512x128xf32>
    %add3A_84 = arith.addf %mul3A_82, %add3A_83 : vector<512x128xf32>
    %max3A_85 = arith.constant 0.000000e+00 : f32
    %max3A_86 = vector.broadcast %max3A_85 : f32 to vector<512x128xf32>
    %max3A_87 = arith.maximumf %add3A_84, %max3A_86 : vector<512x128xf32>
    %get3A_88 = arith.constant 1 : index
    %get3A_89 = arith.constant 2 : index
    %get3A_90 = arith.constant 0 : index
    %get3A_91 = vector.load %arg5[%get3A_88, %get3A_89, %get3A_90] : memref<2x8x128xf32, #tpu.memory_space<vmem>>, vector<1x1x128xf32>
    %get3A_92 = vector.shape_cast %get3A_91 : vector<1x1x128xf32> to vector<1x128xf32>
    %mul3A_93 = vector.broadcast %get3A_92 : vector<1x128xf32> to vector<512x128xf32>
    %mul3A_94 = arith.mulf %mul3A_93, %max3A_87 : vector<512x128xf32>
    %add3A_95 = arith.addf %max3A_40, %mul3A_94 : vector<512x128xf32>
    %swap3A = arith.constant 0 : index
    %swap3A_96 = arith.constant 0 : index
    %swap3A_97 = arith.constant 0 : index
    %swap3A_98 = vector.load %arg6[%swap3A, %swap3A_96, %swap3A_97] : memref<1x512x128xf32, #tpu.memory_space<vmem>>, vector<1x512x128xf32>
    %swap3A_99 = vector.shape_cast %swap3A_98 : vector<1x512x128xf32> to vector<512x128xf32>
    %swap3A_100 = vector.shape_cast %add3A_95 : vector<512x128xf32> to vector<1x512x128xf32>
    tpu.vector_store %arg6[%swap3A, %swap3A_96, %swap3A_97], %swap3A_100 {strides = array<i32>} : memref<1x512x128xf32, #tpu.memory_space<vmem>>, vector<1x512x128xf32>,
    return
  }
  func.func @transform_0(%arg0: i32, %arg1: i32) -> (i32, i32, i32) {
    %c0_i32 = arith.constant 0 : i32
    %c0_i32_0 = arith.constant 0 : i32
    return %arg0, %arg1, %c0_i32 : i32, i32, i32
  }
  func.func @transform_1(%arg0: i32, %arg1: i32) -> (i32, i32, i32) {
    %c0_i32 = arith.constant 0 : i32
    %c0_i32_0 = arith.constant 0 : i32
    return %arg0, %arg1, %c0_i32 : i32, i32, i32
  }
  func.func @transform_2(%arg0: i32, %arg1: i32) -> (i32, i32, i32) {
    %c0_i32 = arith.constant 0 : i32
    %c0_i32_0 = arith.constant 0 : i32
    %c0_i32_1 = arith.constant 0 : i32
    %c0_i32_2 = arith.constant 0 : i32
    return %c0_i32, %c0_i32_0, %c0_i32_1 : i32, i32, i32
  }
  func.func @transform_3(%arg0: i32, %arg1: i32) -> (i32, i32, i32) {
    %c0_i32 = arith.constant 0 : i32
    %c0_i32_0 = arith.constant 0 : i32
    %c0_i32_1 = arith.constant 0 : i32
    %c0_i32_2 = arith.constant 0 : i32
    return %c0_i32, %c0_i32_0, %c0_i32_1 : i32, i32, i32
  }
  func.func @transform_4(%arg0: i32, %arg1: i32) -> (i32, i32, i32) {
    %c0_i32 = arith.constant 0 : i32
    %c0_i32_0 = arith.constant 0 : i32
    return %arg0, %arg1, %c0_i32 : i32, i32, i32
  }
}

</mosaic_0001>

<sc_bundles>
// kernel: kernel.9.cloned.1.call-start
scs
__scs_entry_jumppad:
0x0: {  	(pc) =	sbr.rel $0x88, $3  }
0x1: {  	(tag) =	ssettag $0x0;
	lr =	simm.s32 $0x1  }
0x2: {  	[smem:$0x3F92] =	sst lr;
	_ =	strace $0xD0000000  }
0x3: {  	_ = 	snop  }
0x4: {  	_ = 	snop  }
0x5: {  	_ = 	snop  }
0x6: {  	_ = 	snop  }
0x7: {  	_ = 	snop  }
__scs_overlays_trampoline_lowered:
0x8: {  	[smem:$0x3FA1] =	sst s0  }
0x9: {  	[smem:$0x3FA2] =	sst s1  }
0xa: {  	[smem:$0x3FA3] =	sst s2  }
0xb: {  	[smem:$0x3FA4] =	sst s3  }
0xc: {  	[smem:$0x3FA5] =	sst s4  }
0xd: {  	[smem:$0x3FA6] =	sst s5  }
0xe: {  	[smem:$0x3FA7] =	sst s6  }
0xf: {  	[smem:$0x3FA8] =	sst s7  }
0x10: {  	[smem:$0x3FA9] =	sst s8  }
0x11: {  	[smem:$0x3FAA] =	sst s9;
	s0 =	simm.s32 @!p0 $0x0  }
0x12: {  	s1 =	sld [smem:$0x3F90];
	s0 =	simm.s32 @p0 $0x1  }
0x13: {  	[smem:$0x3FAB] =	sst s0;
	s0 =	simm.s32 @!p1 $0x0  }
0x14: {  	s2 =	sld [smem:$0x3F8F];
	s0 =	simm.s32 @p1 $0x1  }
0x15: {  	[smem:$0x3FAC] =	sst s0;
	s0 =	simm.s32 @!p2 $0x0  }
0x16: {  	s3 =	sld [smem:$0x3FDB];
	s0 =	simm.s32 @p2 $0x1  }
0x17: {  	s4 =	simm.s32 $0x1BF5;
	[smem:$0x3FAE] =	sst s0  }
0x18: {  	s0 =	sld [smem:$0x3F91];
	_ =	swait.ge [sflag:s4], $0x0  }
0x19: {  	s7 =	sld [smem:$0x3F92]  }
0x1a: {  	s8 =	sadd.s32 $0xFFFFE003, lr  }
0x1b: {  	s9 =	sadd.s32 $0xFFFFFEF7, lr;
	s5 =	simm.s32 $0xFFFFFFFF;
	p2 =	slt.u32 s8, $0xFFFFF086  }
0x1c: {  	p1 =	slt.u32 s9, $0xF7A;
	s5 =	simm.s32 @!p2 $0x0  }
0x1d: {  	s5 =	simm.s32 @p1 $0x1;
	p0 =	seq.s32 s7, s2  }
0x1e: {  	s7 =	smul.u32 @!p0 $0xF7A, s2;
	p2 =	seq.s32 @!p0 s5, $0x0  }
0x1f: {  	s9 =	smul.u32 $0xF7A, s1;
	s8 =	simm.s32 @!p0 $0x1BF5;
	p2 =	por !p2, p0  }
0x20: {  	[sflag:s8] =	ssyncset.s32 @!p0 $0xFFFFF086;
	s6 =	sadd.s32 @!p0 s3, s7;
	s7 =	simm.s32 @!p0 $0x108  }
0x21: {  	s3 =	sadd.s32 s3, s9;
	s6 =	sadd.s32 @!p0 $0x88, s6;
	s7 =	simm.s32 @p2 $0x1082  }
0x22: {  	[simem:s7], [sflag:s8] =	dma.local @!p0 [hbm:s6], $0xF7A  }
0x23: {  	s9 =	sor.u32 $0xD0000000, s2;
	s6 =	simm.s32 $0x108;
	_ =	swait.ge @!p0 [sflag:s8], $0x0  }
0x24: {  	s3 =	sadd.s32 $0x88, s3;
	s6 =	simm.s32 @!p1 $0x1082;
	[sflag:s4] =	ssyncset.s32 $0xFFFFF086  }
0x25: {  	[simem:s6], [sflag:s4] =	dma.local [hbm:s3], $0xF7A  }
0x26: {  	[smem:$0x3F92] =	sst s1;
	(tag) =	ssettag s2;
	_ =	strace s9  }
0x27: {  	s1 =	sld [smem:$0x3FA2]  }
0x28: {  	s2 =	sld [smem:$0x3FA3]  }
0x29: {  	s4 =	sld [smem:$0x3FA5]  }
0x2a: {  	p0 =	seq.s32 s5, $0x0;
	s5 =	sld [smem:$0x3FA6]  }
0x2b: {  	s6 =	sld [smem:$0x3FA7]  }
0x2c: {  	s7 =	sld [smem:$0x3FA8]  }
0x2d: {  	s3 =	simm.s32 $0x108;
	s8 =	sld [smem:$0x3FA9]  }
0x2e: {  	s3 =	simm.s32 @!p0 $0x1082;
	s9 =	sld [smem:$0x3FAA]  }
0x2f: {  	lr =	sadd.s32 s0, s3;
	s0 =	sld [smem:$0x3FA1]  }
0x30: {  	s3 =	sld [smem:$0x3FA4]  }
0x31: {  	[smem:$0x3FAD] =	sst s10  }
0x32: {  	s10 =	sld [smem:$0x3FAB];
	_ =	sdelay $0x3  }
0x33: {  	p0 =	seq.s32 s10, $0x1;
	s10 =	sld [smem:$0x3FAD];
	_ =	sdelay $0x3  }
0x34: {  	[smem:$0x3FAD] =	sst s10  }
0x35: {  	s10 =	sld [smem:$0x3FAC];
	_ =	sdelay $0x3  }
0x36: {  	p1 =	seq.s32 s10, $0x1;
	s10 =	sld [smem:$0x3FAD];
	_ =	sdelay $0x3  }
0x37: {  	[smem:$0x3FAD] =	sst s10  }
0x38: {  	s10 =	sld [smem:$0x3FAE]  }
0x39: {  	_ = 	snop;
	(pc) =	sbr.ind lr, $3  }
0x3a: {  	_ = 	snop  }
0x3b: {  	_ = 	snop  }
0x3c: {  	p2 =	seq.s32 s10, $0x1;
	s10 =	sld [smem:$0x3FAD]  }
0x3d: {  	_ =	shalt  }
0x3e: {  	_ =	shalt  }
0x3f: {  	_ =	shalt  }
0x40: {  	_ =	shalt  }
0x41: {  	_ =	shalt  }
0x42: {  	_ =	shalt  }
0x43: {  	_ =	shalt  }
0x44: {  	_ =	shalt  }
0x45: {  	_ =	shalt  }
0x46: {  	_ =	shalt  }
0x47: {  	_ =	shalt  }
0x48: {  	_ =	shalt  }
0x49: {  	_ =	shalt  }
0x4a: {  	_ =	shalt  }
0x4b: {  	_ =	shalt  }
0x4c: {  	_ =	shalt  }
0x4d: {  	_ =	shalt  }
0x4e: {  	_ =	shalt  }
0x4f: {  	_ =	shalt  }
0x50: {  	_ =	shalt  }
0x51: {  	_ =	shalt  }
0x52: {  	_ =	shalt  }
0x53: {  	_ =	shalt  }
0x54: {  	_ =	shalt  }
0x55: {  	_ =	shalt  }
0x56: {  	_ =	shalt  }
0x57: {  	_ =	shalt  }
0x58: {  	_ =	shalt  }
0x59: {  	_ =	shalt  }
0x5a: {  	_ =	shalt  }
0x5b: {  	_ =	shalt  }
0x5c: {  	_ =	shalt  }
0x5d: {  	_ =	shalt  }
0x5e: {  	_ =	shalt  }
0x5f: {  	_ =	shalt  }
0x60: {  	_ =	shalt  }
0x61: {  	_ =	shalt  }
0x62: {  	_ =	shalt  }
0x63: {  	_ =	shalt  }
0x64: {  	_ =	shalt  }
0x65: {  	_ =	shalt  }
0x66: {  	_ =	shalt  }
0x67: {  	_ =	shalt  }
0x68: {  	_ =	shalt  }
0x69: {  	_ =	shalt  }
0x6a: {  	_ =	shalt  }
0x6b: {  	_ =	shalt  }
0x6c: {  	_ =	shalt  }
0x6d: {  	_ =	shalt  }
0x6e: {  	_ =	shalt  }
0x6f: {  	_ =	shalt  }
0x70: {  	_ =	shalt  }
0x71: {  	_ =	shalt  }
0x72: {  	_ =	shalt  }
0x73: {  	_ =	shalt  }
0x74: {  	_ =	shalt  }
0x75: {  	_ =	shalt  }
0x76: {  	_ =	shalt  }
0x77: {  	_ =	shalt  }
0x78: {  	_ =	shalt  }
0x79: {  	_ =	shalt  }
0x7a: {  	_ =	shalt  }
0x7b: {  	_ =	shalt  }
0x7c: {  	_ =	shalt  }
0x7d: {  	_ =	shalt  }
0x7e: {  	_ =	shalt  }
0x7f: {  	_ =	shalt  }
0x80: {  	_ =	shalt  }
0x81: {  	_ =	shalt  }
0x82: {  	_ =	shalt  }
0x83: {  	_ =	shalt  }
0x84: {  	_ =	shalt  }
0x85: {  	_ =	shalt  }
0x86: {  	_ =	shalt  }
0x87: {  	_ =	shalt  }
.Lfunc_end0:
.L_simem_size_0:
called_computation_lowered:
.L_overlay_start_0:
0x88: {  	s2 =	sld [smem:$0x3FD9]  }
0x89: {  	s3 =	sld [smem:$0x3FFE];
	_ =	sdelay $0x1  }
0x8a: {  	s1 =	srdreg.scid  }
0x8b: {  	s0 =	sand.u32 $0x1, s1  }
0x8c: {  	s17 =	sshll.u32 s0, $0xA;
	s2 =	sadd.s32 s3, s2  }
0x8d: {  	s2 =	sadd.s32 s2, s17  }
0x8e: {  	[smem:$0x3FB9] =	sst s2  }
0x8f: {  	_ = 	snop  }
0x90: {  	s2 =	sld [smem:$0x3FD0];
	(tm) =	ssettm $0x1  }
0x91: {  	s18 =	sld [smem:$0x3FFB];
	_ =	sdelay $0x3  }
0x92: {  	_ =	strace s18  }
0x93: {  	s3 =	sld [smem:$0x3FFC];
	_ =	sdelay $0x3  }
0x94: {  	_ =	strace s3  }
0x95: {  	s3 =	sld [smem:$0x3FFD];
	_ =	sdelay $0x3  }
0x96: {  	_ =	strace s3  }
0x97: {  	_ =	strace $0x8FFFFFFF  }
0x98: {  	s19 =	sld [smem:$0x3FDB];
	_ =	sdelay $0x1  }
0x99: {  	s4 =	simm.s32 $_scs_section_size  }
0x9a: {  	s5 =	simm.s32 $_size__tile_overlayer_lowered;
	s6 =	simm.s32 $_tile_overlayer_lowered  }
0x9b: {  	s22 =	simm.s32 $0x1BFF;
	s21 =	sshll.u32 s6, $0x1;
	s3 =	sadd.s32 s4, s19  }
0x9c: {  	s7 =	simm.s32 $0x0;
	s20 =	sshll.u32 s5, $0x1;
	s5 =	sadd.s32 s21, s3  }
0x9d: {  	[timem:s7], [sflag:s22] =	dma.local [hbm:s5], s20  }
0x9e: {  	_ =	swait.ge [sflag:s22], s20  }
0x9f: {  	s4 =	ssub.s32 $0x0, s20;
	[sflag:s22] =	ssyncset.done $0x0  }
0xa0: {  	[sflag:s22] =	ssyncadd.s32 s4;
	_ =	sdelay $0x1  }
0xa1: {  	s23 =	simm.s32 $0x1B8B  }
0xa2: {  	_ =	swait.ge [sflag:s23], $0x1  }
0xa3: {  	[sflag:s23] =	ssyncset.done $0x0  }
0xa4: {  	s25 =	simm.s32 $0x1B8E;
	s24 =	sld [smem:$0x3FFE];
	[sflag:s23] =	ssyncadd.s32 $0xFFFFFFFF  }
0xa5: {  	s26 =	simm.s32 $execute0_lowered;
	[smem:$0x3FD2] =	sst s25  }
0xa6: {  	s5 =	sshll.u32 s26, $0x1;
	_ =	strace $0x80000046;
	[dreg:$0x1] =	wrdreg $0xFFFFFFFF  }
0xa7: {  	s28 =	simm.s32 $_size_execute0_lowered;
	s3 =	sadd.s32 s3, s5;
	[dreg:$0x0] =	wrdreg $0x0  }
0xa8: {  	s5 =	sshll.u32 s28, $0x1;
	[dreg:$0x2] =	wrdreg s3  }
0xa9: {  	[dreg:$0x3] =	wrdreg s5  }
0xaa: {  	[dreg:$0x4] =	wrdreg $0xC0  }
0xab: {  	_ =	task [dreg:s7], $0x5FFFF  }
0xac: {  	[dreg:$0x1] =	wrdreg $0xFFFFFFFF  }
0xad: {  	[dreg:$0x0] =	wrdreg $0x60  }
0xae: {  	[dreg:$0x2] =	wrdreg s24  }
0xaf: {  	[dreg:$0x3] =	wrdreg s2  }
0xb0: {  	[dreg:$0x4] =	wrdreg $0x9  }
0xb1: {  	_ =	task.clear_ibuf [dreg:s7], $0x5FFFF;
	_ =	strace $0x90000046  }
0xb2: {  	s29 =	simm.s32 $0x9;
	_ =	strace $0x80000048  }
0xb3: {  	_ =	swait.ge [sflag:s29], $0x1  }
0xb4: {  	[sflag:s29] =	ssyncadd.s32 $0xFFFFFFFF  }
0xb5: {  	_ =	strace $0x90000048  }
0xb6: {  	_ =	sfence  }
0xb7: {  	s30 =	sld [smem:$0x0];
	_ =	sdelay $0x2  }
0xb8: {  	s31 =	sshll.u32 s1, $0xD;
	s1 =	sshrl.u32 s1, $0x2  }
0xb9: {  	s3 =	sand.u32 $0x4000, s31;
	s1 =	sadd.s32 s1, s30  }
0xba: {  	s0 =	sor.u32 s3, s0;
	s1 =	sshll.u32 s1, $0x11  }
0xbb: {  	s0 =	sor.u32 s1, s0  }
0xbc: {  	s0 =	sadd.s32 $0x8F2B, s0  }
0xbd: {  	[sflag:s0] =	ssyncadd.remote.s32 $0x1  }
0xbe: {  	_ =	sfence.sel $0xFFFF  }
0xbf: {  	[dreg:$0x0] =	wrdreg $0xFFFFFFFF;
	(pc) =	sbr.abs _section_cstart, $3  }
0xc0: {  	[dreg:$0x1] =	wrdreg $0xFFFFFFFF  }
0xc1: {  	_ =	task.clear_ibuf [dreg:s7], $0x2FFFF;
	_ =	strace $0x9FFFFFFF  }
0xc2: {  	(tm) =	ssettm $0x7FFFFFFF  }
0xc3: {  	_ =	shalt  }
tec
execute0_lowered:
.L_overlay_start_1:
0x0: {  	(tag) =	ssettag $0x1  }
0x1: {  	s4 =	rddreg [dreg:$0x0];
	s1 =	srdreg.scid  }
0x2: {  	s0 =	stileid.u32;
	s5 =	rddreg [dreg:$0x1]  }
0x3: {  	s2 =	simm.s32 $0x0;
	s14 =	simm.s32 $0x1;
	s13 =	smul.u32 $0x48000, s0  }
0x4: {  	s15 =	simm.s32 $0x2;
	s7 =	sand.u32 $0x1, s1;
	s25 =	smul.u32 $0x240000, s0  }
0x5: {  	s16 =	simm.s32 $0x0;
	s3 =	sshll.u32 s0, $0x1;
	s28 =	smul.u32 $0x120000, s7  }
0x6: {  	s1 =	rddreg [dreg:$0x2];
	s6 =	sor.u32 s7, s3;
	s29 =	smul.u32 $0x24000, s7  }
0x7: {  	[smem:$0x7FF] =	sst s2;
	s12 =	sadd.s32 $0x204000, s4;
	s8 =	smul.u32 $0x480, s6  }
0x8: {  	_ =	strace $0x80000047;
	s10 =	ssub.s32 $0x2, s7;
	s9 =	smul.u32 $0x120000, s6  }
0x9: {  	s3 =	sadd.s32 $0x4000, s4;
	s11 =	smul.u32 $0x24000, s6;
	s23 =	sshrl.u32 s10, $0x1  }
0xa: {  	s31 =	sadd.s32 s13, s12;
	s13 =	simm.s32 $0x6400;
	s24 =	ssub.s32 s10, s23  }
0xb: {  	s10 =	simm.s32 $0x3;
	s9 =	sshrl.u32 s9, $0x3;
	s4 =	sadd.s32 s5, s8  }
0xc: {  	s5 =	smax.u32 s24, $0x1;
	s30 =	sadd.s32 s11, s12;
	s8 =	sadd.s32 s29, s31  }
0xd: {  	s11 =	simm.s32 $0x80;
	s26 =	sadd.s32 s12, s9;
	s9 =	sadd.s32 s28, s25  }
0xe: {  	s7 =	sadd.s32 $0x23800, s30;
	s8 =	sadd.s32 $0x800, s8;
	s9 =	sshrl.u32 s9, $0x3  }
0xf: {  	s6 =	sadd.s32 $0x23000, s26;
	s9 =	sadd.s32 s9, s12;
	s12 =	simm.s32 $0x2400  }
.LBB2_1:
0x10: {  	[tilespmem:s2], [sflag:$0x3] =	stream.linear.gather [hbm4b:s4+s2], $0x2400, $0x38;
	[tilespmem:$0xA400] =	vst v63  }
0x11: {  	_ =	swait.ge [sflag:s10], $0x2400  }
0x12: {  	[sflag:s10] =	ssyncset.done $0x0  }
0x13: {  	[sflag:s10] =	ssyncadd.s32 $0xFFFFDC00  }
0x14: {  	[tilespmem:s12], [sflag:$0x1] =	stream.indirect.gather [hbm4b:s3+s11], $0x80, s2, s11, $0xb8;
	[tilespmem:$0xA400] =	vst v63  }
0x15: {  	_ = 	snop  }
0x16: {  	[tilespmem:s13], [sflag:$0x2] =	stream.indirect.gather [hbm4b:s3+s11], $0x80, s11, s11, $0xb8;
	[tilespmem:$0xA400] =	vst v63  }
0x17: {  	_ =	swait.ge [sflag:s14], $0x4000  }
0x18: {  	[sflag:s14] =	ssyncset.done $0x0  }
0x19: {  	s17 =	sadd.s32 $0x0, s9;
	[sflag:s14] =	ssyncadd.s32 $0xFFFFC000  }
0x1a: {  	[hbm4b:s17+s2] =	stream.linear.scatter [tilespmem:s12], [sflag:$0x3], $0x4000, $0x38;
	[tilespmem:$0xA400] =	vst v63  }
0x1b: {  	_ =	swait.ge [sflag:s10], $0x4000  }
0x1c: {  	[sflag:s10] =	ssyncset.done $0x0  }
0x1d: {  	s30 =	simm.s32 $0x100;
	[sflag:s10] =	ssyncadd.s32 $0xFFFFC000  }
0x1e: {  	[tilespmem:s12], [sflag:$0x1] =	stream.indirect.gather [hbm4b:s3+s11], $0x80, s30, s11, $0xb8;
	[tilespmem:$0xA400] =	vst v63  }
0x1f: {  	_ =	swait.ge [sflag:s15], $0x4000  }
0x20: {  	[sflag:s15] =	ssyncset.done $0x0  }
0x21: {  	s31 =	sadd.s32 $0x0, s8;
	[sflag:s15] =	ssyncadd.s32 $0xFFFFC000  }
0x22: {  	[hbm4b:s31+s2] =	stream.linear.scatter [tilespmem:s13], [sflag:$0x3], $0x4000, $0x38;
	[tilespmem:$0xA400] =	vst v63  }
0x23: {  	_ =	swait.ge [sflag:s10], $0x4000  }
0x24: {  	s18 =	simm.s32 $0x1000;
	[sflag:s10] =	ssyncset.done $0x0  }
0x25: {  	s19 =	simm.s32 $0x280;
	s17 =	simm.s32 $0x180;
	[sflag:s10] =	ssyncadd.s32 $0xFFFFC000  }
.LBB2_2:
0x26: {  	[tilespmem:s13], [sflag:$0x2] =	stream.indirect.gather [hbm4b:s3+s11], $0x80, s17, s11, $0xb8;
	[tilespmem:$0xA400] =	vst v63  }
0x27: {  	s20 =	smov.u32 s18;
	s17 =	smov.u32 s19  }
0x28: {  	p0 =	sne.s32 s18, $0x22000;
	s18 =	sadd.s32 $0x1000, s18;
	_ =	swait.ge [sflag:s14], $0x4000  }
0x29: {  	[sflag:s14] =	ssyncset.done $0x0  }
0x2a: {  	s21 =	sadd.s32 s20, s9;
	[sflag:s14] =	ssyncadd.s32 $0xFFFFC000  }
0x2b: {  	[hbm4b:s21+s2] =	stream.linear.scatter [tilespmem:s12], [sflag:$0x3], $0x4000, $0x38;
	[tilespmem:$0xA400] =	vst v63  }
0x2c: {  	_ =	swait.ge [sflag:s10], $0x4000  }
0x2d: {  	[sflag:s10] =	ssyncset.done $0x0  }
0x2e: {  	s21 =	sadd.s32 $0xFFFFFF80, s19;
	[sflag:s10] =	ssyncadd.s32 $0xFFFFC000  }
0x2f: {  	[tilespmem:s12], [sflag:$0x1] =	stream.indirect.gather [hbm4b:s3+s11], $0x80, s21, s11, $0xb8;
	[tilespmem:$0xA400] =	vst v63  }
0x30: {  	_ =	swait.ge [sflag:s15], $0x4000  }
0x31: {  	[sflag:s15] =	ssyncset.done $0x0  }
.Ltmp0:
0x32: {  	s20 =	sadd.s32 s20, s8;
	[sflag:s15] =	ssyncadd.s32 $0xFFFFC000;
	(pc) =	sbr.rel @p0 .LBB2_2-.Ltmp0, $4  }
0x33: {  	[hbm4b:s20+s2] =	stream.linear.scatter [tilespmem:s13], [sflag:$0x3], $0x4000, $0x38;
	[tilespmem:$0xA400] =	vst v63  }
0x34: {  	_ =	swait.ge [sflag:s10], $0x4000  }
0x35: {  	[sflag:s10] =	ssyncset.done $0x0  }
0x36: {  	s19 =	sadd.s32 $0x100, s19;
	[sflag:s10] =	ssyncadd.s32 $0xFFFFC000  }
0x37: {  	[tilespmem:s13], [sflag:$0x2] =	stream.indirect.gather [hbm4b:s3+s11], $0x80, s17, s11, $0xb8;
	[tilespmem:$0xA400] =	vst v63  }
0x38: {  	_ =	swait.ge [sflag:s14], $0x4000  }
0x39: {  	[sflag:s14] =	ssyncset.done $0x0  }
0x3a: {  	[sflag:s14] =	ssyncadd.s32 $0xFFFFC000  }
0x3b: {  	[hbm4b:s6+s2] =	stream.linear.scatter [tilespmem:s12], [sflag:$0x3], $0x4000, $0x38;
	[tilespmem:$0xA400] =	vst v63  }
0x3c: {  	_ =	swait.ge [sflag:s10], $0x4000  }
0x3d: {  	[sflag:s10] =	ssyncset.done $0x0  }
0x3e: {  	[sflag:s10] =	ssyncadd.s32 $0xFFFFC000  }
0x3f: {  	s16 =	sadd.s32 $0x1, s16;
	_ =	swait.ge [sflag:s15], $0x4000  }
0x40: {  	p0 =	sne.s32 s16, s5;
	[sflag:s15] =	ssyncset.done $0x0  }
.Ltmp1:
0x41: {  	[sflag:s15] =	ssyncadd.s32 $0xFFFFC000;
	(pc) =	sbr.rel @p0 .LBB2_1-.Ltmp1, $4  }
0x42: {  	[hbm4b:s7+s2] =	stream.linear.scatter [tilespmem:s13], [sflag:$0x3], $0x4000, $0x38;
	[tilespmem:$0xA400] =	vst v63  }
0x43: {  	_ =	swait.ge [sflag:s10], $0x4000  }
0x44: {  	[sflag:s10] =	ssyncset.done $0x0  }
0x45: {  	[sflag:s10] =	ssyncadd.s32 $0xFFFFC000  }
0x46: {  	_ =	sfence.sel $0x180000  }
0x47: {  	[bflag:$0x0] =	sbarrier.arrive $0xFFFF  }
0x48: {  	p0 =	sne.s32 s0, $0x0;
	_ =	strace $0x90000047  }
0x49: {  	s0 =	sadd.s32 @!p0 $0x100000, s1;
	[bflag:$0x2] =	sbarrier.arrive $0xFFFF  }
0x4a: {  	[sflag:s0] =	ssyncadd.tile.s32 @!p0 $0x1;
	_ =	shalt  }
.Lfunc_end2:
_tile_overlayer_lowered:
.L_overlay_start_2:
0x4b: {  	(tag) =	ssettag $0x2  }
0x4c: {  	s0 =	rddreg [dreg:$0x0];
	s2 =	stileid.u32  }
0x4d: {  	s1 =	rddreg [dreg:$0x1];
	p0 =	sne.s32 s2, $0x0  }
0x4e: {  	s3 =	rddreg [dreg:$0x2];
	[bflag:$0x3] =	sbarrier.arrive $0xFFFF;
	s2 =	simm.s32 @!p0 $0x1C03  }
0x4f: {  	[timem:s3], [sflag:s2] =	dma.local @!p0 [hbm:s0], s1  }
0x50: {  	s0 =	simm.s32 @!p0 $0x3  }
0x51: {  	_ =	swait.ge @!p0 [sflag:s0], s1  }
0x52: {  	s1 =	ssub.s32 @!p0 $0x0, s1;
	[sflag:s0] =	ssyncset.done @!p0 $0x0  }
0x53: {  	[sflag:s0] =	ssyncadd.s32 @!p0 s1  }
0x54: {  	[bflag:$0x3] =	sbarrier.arrive $0xFFFF  }
0x55: {  	_ =	shalt  }

</sc_bundles>
